<compile_context>
chip_gen: v7x
topology: tpu7x:2x2x1
jax: 0.10.2.dev20260603
libtpu: 0.0.44.dev20260713+nightly
codegen_flags: <defaults>
</compile_context>

<pallas_src>
import functools

import jax
import jax.numpy as jnp
from jax import lax
from jax.experimental import pallas as pl
from jax.experimental.pallas import tpu as pltpu
from jax.experimental.pallas import tpu_sc as plsc

B, C, H, W = 64, 192, 56, 56
NC, NS = 2, 16
NW = NC * NS
BCHUNK = 4
NBC = B // BCHUNK
NITEMS = C * NBC
ITEMS_PER_W = NITEMS // NW
NBUF = 4


def _make_sc_permute():
    mesh = plsc.VectorSubcoreMesh(core_axis_name="c", subcore_axis_name="s")

    @functools.partial(
        pl.kernel,
        mesh=mesh,
        out_type=jax.ShapeDtypeStruct((B, C, H, W), jnp.float32),
        scratch_types=[
            pltpu.VMEM((C + 16,), jnp.int32),
            pltpu.VMEM((NBUF, BCHUNK, 1, H, W), jnp.float32),
            pltpu.SemaphoreType.DMA,
            pltpu.SemaphoreType.DMA,
            pltpu.SemaphoreType.DMA,
            pltpu.SemaphoreType.DMA,
            pltpu.SemaphoreType.DMA,
            pltpu.SemaphoreType.DMA,
            pltpu.SemaphoreType.DMA,
            pltpu.SemaphoreType.DMA,
        ],
    )
    def kern(x_hbm, perm_hbm, out_hbm, perm_v, buf,
             g0, g1, g2, g3, s0, s1, s2, s3):
        wid = lax.axis_index("s") * NC + lax.axis_index("c")
        base = wid * ITEMS_PER_W
        pltpu.sync_copy(perm_hbm, perm_v.at[pl.ds(0, C)])
        gsems = (g0, g1, g2, g3)
        ssems = (s0, s1, s2, s3)

        def src_of(c):
            return perm_v[pl.ds(c, 16)][0]

        def start_gather(item, b):
            c = item // NBC
            b0 = (item % NBC) * BCHUNK
            src = src_of(c)
            pltpu.async_copy(
                x_hbm.at[pl.ds(b0, BCHUNK), pl.ds(src, 1)], buf.at[b], gsems[b])

        def wait_gather(b):
            pltpu.make_async_copy(
                x_hbm.at[pl.ds(0, BCHUNK), pl.ds(0, 1)], buf.at[b],
                gsems[b]).wait()

        def out_slice(item):
            c = item // NBC
            b0 = (item % NBC) * BCHUNK
            return out_hbm.at[pl.ds(b0, BCHUNK), pl.ds(c, 1)]

        def start_scatter(item, b):
            pltpu.async_copy(buf.at[b], out_slice(item), ssems[b])

        def wait_scatter(item, b):
            pltpu.make_async_copy(buf.at[b], out_slice(item), ssems[b]).wait()

        for b in range(NBUF):
            start_gather(base + b, b)

        def body(i, carry):
            items = [base + i * NBUF + b for b in range(NBUF)]
            for b in range(NBUF):
                wait_gather(b)
                start_scatter(items[b], b)
            for b in range(NBUF):
                wait_scatter(items[b], b)

                @pl.when(i * NBUF + b + NBUF < ITEMS_PER_W)
                def _():
                    start_gather(items[b] + NBUF, b)

            return carry

        lax.fori_loop(0, ITEMS_PER_W // NBUF, body, 0)

    return kern


_sc_permute = _make_sc_permute()


@jax.jit
def kernel(x, permutation):
    z = _sc_permute(x, permutation.astype(jnp.int32))
    ldj = jnp.zeros((B,), dtype=x.dtype)
    return (z, ldj)

# --- scband reference (transcript-rebuilt; emitter-appended) ---
"""Pipeline reference for scband-permute-16020228014326 (READ-ONLY COPY).

The authoritative reference and input builder live on the scoring server;
editing this copy changes nothing except your own understanding.
"""

import jax, jax.numpy as jnp
import numpy as np


def setup_inputs(seed: int = 0) -> dict:
    key = jax.random.key(seed)
    x = jax.random.normal(key, (64, 192, 56, 56), dtype=jnp.float32)
    permutation = jnp.arange(191, -1, -1, dtype=jnp.int32)
    return {"x": x, "permutation": permutation}


def reference(x, permutation):
    # torch.index_select(x, dim=1, permutation)
    z = jnp.take(x, permutation, axis=1)
    # log-det-jacobian of a permutation is zero
    ldj = jnp.zeros(x.shape[0], dtype=x.dtype)
    return (z, ldj)

if __name__ == "__main__":
    import jax
    _d = setup_inputs()
    print(jax.jit(kernel)(*tuple(_d.values())))

</pallas_src>

<mosaic_0001>
#map = affine_map<(d0, d1) -> (0, 0, 0, 0)>
#map1 = affine_map<(d0, d1) -> (0)>
module attributes {stable_mosaic.version = 14 : i64} {
  func.func @kern(%arg0: i32, %arg1: i32, %arg2: memref<64x192x56x56xf32, #tpu.memory_space<hbm>>, %arg3: memref<192xi32, #tpu.memory_space<hbm>>, %arg4: memref<64x192x56x56xf32, #tpu.memory_space<hbm>>, %arg5: memref<208xi32, #tpu.memory_space<vmem>>, %arg6: memref<4x4x1x56x56xf32, #tpu.memory_space<vmem>>, %arg7: memref<!tpu.dma_semaphore, #tpu.memory_space<semaphore_mem>>, %arg8: memref<!tpu.dma_semaphore, #tpu.memory_space<semaphore_mem>>, %arg9: memref<!tpu.dma_semaphore, #tpu.memory_space<semaphore_mem>>, %arg10: memref<!tpu.dma_semaphore, #tpu.memory_space<semaphore_mem>>, %arg11: memref<!tpu.dma_semaphore, #tpu.memory_space<semaphore_mem>>, %arg12: memref<!tpu.dma_semaphore, #tpu.memory_space<semaphore_mem>>, %arg13: memref<!tpu.dma_semaphore, #tpu.memory_space<semaphore_mem>>, %arg14: memref<!tpu.dma_semaphore, #tpu.memory_space<semaphore_mem>>) attributes {dimension_semantics = [#tpu.dimension_semantics<core_parallel>, #tpu.dimension_semantics<subcore_parallel>], iteration_bounds = array<i64: 2, 16>, scalar_prefetch = 0 : i64, scratch_operands = 10 : i64, tpu.core_type = #tpu.core_type<sc_vector_subcore>, window_params = [{transform_indices = #map}, {transform_indices = #map1}, {transform_indices = #map}]} {
    %mul3A = arith.constant 2 : i32
    %mul3A_0 = arith.muli %arg1, %mul3A : i32
    %add3A = arith.addi %mul3A_0, %arg0 : i32
    %mul3A_1 = arith.constant 96 : i32
    %mul3A_2 = arith.muli %add3A, %mul3A_1 : i32
    "tpu.region"() ({
      %run_scoped3A = tpu.sem_alloc : memref<!tpu.dma_semaphore, #tpu.memory_space<semaphore_mem>>
      %dma_start3A_266 = arith.constant 0 : i32
      %dma_start3A_267 = tpu.memref_slice %arg5[%dma_start3A_266] : memref<208xi32, #tpu.memory_space<vmem>> -> memref<192xi32, #tpu.memory_space<vmem>>
      %dma_start3A_268 = arith.constant 0 : i32
      %dma_start3A_269 = tpu.memref_slice %arg5[%dma_start3A_268] : memref<208xi32, #tpu.memory_space<vmem>> -> memref<192xi32, #tpu.memory_space<vmem>>
      tpu.enqueue_dma source(%arg3 : memref<192xi32, #tpu.memory_space<hbm>>) target(%dma_start3A_269 : memref<192xi32, #tpu.memory_space<vmem>>) target_semaphore(%run_scoped3A : memref<!tpu.dma_semaphore, #tpu.memory_space<semaphore_mem>>)
      %dma_wait3A = arith.constant 0 : i32
      %dma_wait3A_270 = tpu.memref_slice %arg5[%dma_wait3A] : memref<208xi32, #tpu.memory_space<vmem>> -> memref<192xi32, #tpu.memory_space<vmem>>
      %dma_wait3A_271 = arith.constant 0 : i32
      %dma_wait3A_272 = tpu.memref_slice %arg5[%dma_wait3A_271] : memref<208xi32, #tpu.memory_space<vmem>> -> memref<192xi32, #tpu.memory_space<vmem>>
      tpu.wait_dma2 semaphore(%run_scoped3A : memref<!tpu.dma_semaphore, #tpu.memory_space<semaphore_mem>>) src(%arg3 : memref<192xi32, #tpu.memory_space<hbm>>) dst(%dma_wait3A_272 : memref<192xi32, #tpu.memory_space<vmem>>)
      tpu.yield
    }) : () -> ()
    %add3A_3 = arith.constant 0 : i32
    %add3A_4 = arith.addi %mul3A_2, %add3A_3 : i32
    %jit3A = arith.constant 16 : i32
    %div3A = arith.divsi %add3A_4, %jit3A : i32
    %sign3A = arith.constant 0 : i32
    %sign3A_5 = arith.cmpi sgt, %add3A_4, %sign3A : i32
    %sign3A_6 = arith.extui %sign3A_5 : i1 to i32
    %sign3A_7 = arith.constant 0 : i32
    %sign3A_8 = arith.cmpi slt, %add3A_4, %sign3A_7 : i32
    %sign3A_9 = arith.extui %sign3A_8 : i1 to i32
    %sign3A_10 = arith.subi %sign3A_6, %sign3A_9 : i32
    %sign3A_11 = arith.constant 0 : i32
    %sign3A_12 = arith.cmpi sgt, %jit3A, %sign3A_11 : i32
    %sign3A_13 = arith.extui %sign3A_12 : i1 to i32
    %sign3A_14 = arith.constant 0 : i32
    %sign3A_15 = arith.cmpi slt, %jit3A, %sign3A_14 : i32
    %sign3A_16 = arith.extui %sign3A_15 : i1 to i32
    %sign3A_17 = arith.subi %sign3A_13, %sign3A_16 : i32
    %ne3A = arith.cmpi ne, %sign3A_10, %sign3A_17 : i32
    %rem3A = arith.remsi %add3A_4, %jit3A : i32
    %ne3A_18 = arith.constant 0 : i32
    %ne3A_19 = arith.cmpi ne, %rem3A, %ne3A_18 : i32
    %and3A = arith.andi %ne3A, %ne3A_19 : i1
    %sub3A = arith.constant 1 : i32
    %sub3A_20 = arith.subi %div3A, %sub3A : i32
    %select_n3A = arith.select %and3A, %sub3A_20, %div3A : i32
    %jit3A_21 = arith.constant 16 : i32
    %eq3A = arith.constant 0 : i32
    %eq3A_22 = arith.cmpi eq, %jit3A_21, %eq3A : i32
    %jit3A_23 = arith.constant 1 : i32
    %select_n3A_24 = arith.select %eq3A_22, %jit3A_23, %jit3A_21 : i32
    %rem3A_25 = arith.remsi %add3A_4, %select_n3A_24 : i32
    %ne3A_26 = arith.constant 0 : i32
    %ne3A_27 = arith.cmpi ne, %rem3A_25, %ne3A_26 : i32
    %lt3A = arith.constant 0 : i32
    %lt3A_28 = arith.cmpi slt, %rem3A_25, %lt3A : i32
    %lt3A_29 = arith.constant 0 : i32
    %lt3A_30 = arith.cmpi slt, %select_n3A_24, %lt3A_29 : i32
    %ne3A_31 = arith.xori %lt3A_28, %lt3A_30 : i1
    %and3A_32 = arith.andi %ne3A_31, %ne3A_27 : i1
    %add3A_33 = arith.addi %rem3A_25, %select_n3A_24 : i32
    %select_n3A_34 = arith.select %and3A_32, %add3A_33, %rem3A_25 : i32
    %mul3A_35 = arith.constant 4 : i32
    %mul3A_36 = arith.muli %select_n3A_34, %mul3A_35 : i32
    %get3A = arith.index_cast %select_n3A : i32 to index
    %get3A_37 = tpu.vector_load %arg5[%get3A] {strides = array<i32>} : memref<208xi32, #tpu.memory_space<vmem>>, vector<16xi32>,
    %get3A_38 = vector.shape_cast %get3A_37 : vector<16xi32> to vector<16xi32>
    %slice3A = vector.extract_strided_slice %get3A_38 {offsets = [0], sizes = [1], strides = [1]} : vector<16xi32> to vector<1xi32>
    %squeeze3A = vector.extract %slice3A[0] : i32 from vector<1xi32>
    %dma_start3A = arith.constant 0 : i32
    %dma_start3A_39 = arith.constant 0 : i32
    %dma_start3A_40 = arith.constant 0 : i32
    %dma_start3A_41 = arith.constant 0 : i32
    %dma_start3A_42 = arith.constant 0 : i32
    %dma_start3A_43 = tpu.memref_slice %arg6[%dma_start3A, %dma_start3A_39, %dma_start3A_40, %dma_start3A_41, %dma_start3A_42] : memref<4x4x1x56x56xf32, #tpu.memory_space<vmem>> -> memref<1x4x1x56x56xf32, #tpu.memory_space<vmem>>
    %dma_start3A_44 = tpu.memref_squeeze %dma_start3A_43 : memref<1x4x1x56x56xf32, #tpu.memory_space<vmem>> -> memref<4x1x56x56xf32, #tpu.memory_space<vmem>>
    %dma_start3A_45 = arith.constant 0 : i32
    %dma_start3A_46 = arith.constant 0 : i32
    %dma_start3A_47 = tpu.memref_slice %arg2[%mul3A_36, %squeeze3A, %dma_start3A_45, %dma_start3A_46] : memref<64x192x56x56xf32, #tpu.memory_space<hbm>> -> memref<4x1x56x56xf32, #tpu.memory_space<hbm>>
    %dma_start3A_48 = arith.constant 0 : i32
    %dma_start3A_49 = arith.constant 0 : i32
    %dma_start3A_50 = arith.constant 0 : i32
    %dma_start3A_51 = arith.constant 0 : i32
    %dma_start3A_52 = tpu.memref_slice %arg6[%dma_start3A, %dma_start3A_48, %dma_start3A_49, %dma_start3A_50, %dma_start3A_51] : memref<4x4x1x56x56xf32, #tpu.memory_space<vmem>> -> memref<1x4x1x56x56xf32, #tpu.memory_space<vmem>>
    %dma_start3A_53 = tpu.memref_squeeze %dma_start3A_52 : memref<1x4x1x56x56xf32, #tpu.memory_space<vmem>> -> memref<4x1x56x56xf32, #tpu.memory_space<vmem>>
    %dma_start3A_54 = arith.constant 0 : i32
    %dma_start3A_55 = arith.constant 0 : i32
    %dma_start3A_56 = tpu.memref_slice %arg2[%mul3A_36, %squeeze3A, %dma_start3A_54, %dma_start3A_55] : memref<64x192x56x56xf32, #tpu.memory_space<hbm>> -> memref<4x1x56x56xf32, #tpu.memory_space<hbm>>
    tpu.enqueue_dma source(%dma_start3A_56 : memref<4x1x56x56xf32, #tpu.memory_space<hbm>>) target(%dma_start3A_53 : memref<4x1x56x56xf32, #tpu.memory_space<vmem>>) target_semaphore(%arg7 : memref<!tpu.dma_semaphore, #tpu.memory_space<semaphore_mem>>)
    %add3A_57 = arith.constant 1 : i32
    %add3A_58 = arith.addi %mul3A_2, %add3A_57 : i32
    %jit3A_59 = arith.constant 16 : i32
    %div3A_60 = arith.divsi %add3A_58, %jit3A_59 : i32
    %sign3A_61 = arith.constant 0 : i32
    %sign3A_62 = arith.cmpi sgt, %add3A_58, %sign3A_61 : i32
    %sign3A_63 = arith.extui %sign3A_62 : i1 to i32
    %sign3A_64 = arith.constant 0 : i32
    %sign3A_65 = arith.cmpi slt, %add3A_58, %sign3A_64 : i32
    %sign3A_66 = arith.extui %sign3A_65 : i1 to i32
    %sign3A_67 = arith.subi %sign3A_63, %sign3A_66 : i32
    %sign3A_68 = arith.constant 0 : i32
    %sign3A_69 = arith.cmpi sgt, %jit3A_59, %sign3A_68 : i32
    %sign3A_70 = arith.extui %sign3A_69 : i1 to i32
    %sign3A_71 = arith.constant 0 : i32
    %sign3A_72 = arith.cmpi slt, %jit3A_59, %sign3A_71 : i32
    %sign3A_73 = arith.extui %sign3A_72 : i1 to i32
    %sign3A_74 = arith.subi %sign3A_70, %sign3A_73 : i32
    %ne3A_75 = arith.cmpi ne, %sign3A_67, %sign3A_74 : i32
    %rem3A_76 = arith.remsi %add3A_58, %jit3A_59 : i32
    %ne3A_77 = arith.constant 0 : i32
    %ne3A_78 = arith.cmpi ne, %rem3A_76, %ne3A_77 : i32
    %and3A_79 = arith.andi %ne3A_75, %ne3A_78 : i1
    %sub3A_80 = arith.constant 1 : i32
    %sub3A_81 = arith.subi %div3A_60, %sub3A_80 : i32
    %select_n3A_82 = arith.select %and3A_79, %sub3A_81, %div3A_60 : i32
    %jit3A_83 = arith.constant 16 : i32
    %eq3A_84 = arith.constant 0 : i32
    %eq3A_85 = arith.cmpi eq, %jit3A_83, %eq3A_84 : i32
    %jit3A_86 = arith.constant 1 : i32
    %select_n3A_87 = arith.select %eq3A_85, %jit3A_86, %jit3A_83 : i32
    %rem3A_88 = arith.remsi %add3A_58, %select_n3A_87 : i32
    %ne3A_89 = arith.constant 0 : i32
    %ne3A_90 = arith.cmpi ne, %rem3A_88, %ne3A_89 : i32
    %lt3A_91 = arith.constant 0 : i32
    %lt3A_92 = arith.cmpi slt, %rem3A_88, %lt3A_91 : i32
    %lt3A_93 = arith.constant 0 : i32
    %lt3A_94 = arith.cmpi slt, %select_n3A_87, %lt3A_93 : i32
    %ne3A_95 = arith.xori %lt3A_92, %lt3A_94 : i1
    %and3A_96 = arith.andi %ne3A_95, %ne3A_90 : i1
    %add3A_97 = arith.addi %rem3A_88, %select_n3A_87 : i32
    %select_n3A_98 = arith.select %and3A_96, %add3A_97, %rem3A_88 : i32
    %mul3A_99 = arith.constant 4 : i32
    %mul3A_100 = arith.muli %select_n3A_98, %mul3A_99 : i32
    %get3A_101 = arith.index_cast %select_n3A_82 : i32 to index
    %get3A_102 = tpu.vector_load %arg5[%get3A_101] {strides = array<i32>} : memref<208xi32, #tpu.memory_space<vmem>>, vector<16xi32>,
    %get3A_103 = vector.shape_cast %get3A_102 : vector<16xi32> to vector<16xi32>
    %slice3A_104 = vector.extract_strided_slice %get3A_103 {offsets = [0], sizes = [1], strides = [1]} : vector<16xi32> to vector<1xi32>
    %squeeze3A_105 = vector.extract %slice3A_104[0] : i32 from vector<1xi32>
    %dma_start3A_106 = arith.constant 1 : i32
    %dma_start3A_107 = arith.constant 0 : i32
    %dma_start3A_108 = arith.constant 0 : i32
    %dma_start3A_109 = arith.constant 0 : i32
    %dma_start3A_110 = arith.constant 0 : i32
    %dma_start3A_111 = tpu.memref_slice %arg6[%dma_start3A_106, %dma_start3A_107, %dma_start3A_108, %dma_start3A_109, %dma_start3A_110] : memref<4x4x1x56x56xf32, #tpu.memory_space<vmem>> -> memref<1x4x1x56x56xf32, #tpu.memory_space<vmem>>
    %dma_start3A_112 = tpu.memref_squeeze %dma_start3A_111 : memref<1x4x1x56x56xf32, #tpu.memory_space<vmem>> -> memref<4x1x56x56xf32, #tpu.memory_space<vmem>>
    %dma_start3A_113 = arith.constant 0 : i32
    %dma_start3A_114 = arith.constant 0 : i32
    %dma_start3A_115 = tpu.memref_slice %arg2[%mul3A_100, %squeeze3A_105, %dma_start3A_113, %dma_start3A_114] : memref<64x192x56x56xf32, #tpu.memory_space<hbm>> -> memref<4x1x56x56xf32, #tpu.memory_space<hbm>>
    %dma_start3A_116 = arith.constant 0 : i32
    %dma_start3A_117 = arith.constant 0 : i32
    %dma_start3A_118 = arith.constant 0 : i32
    %dma_start3A_119 = arith.constant 0 : i32
    %dma_start3A_120 = tpu.memref_slice %arg6[%dma_start3A_106, %dma_start3A_116, %dma_start3A_117, %dma_start3A_118, %dma_start3A_119] : memref<4x4x1x56x56xf32, #tpu.memory_space<vmem>> -> memref<1x4x1x56x56xf32, #tpu.memory_space<vmem>>
    %dma_start3A_121 = tpu.memref_squeeze %dma_start3A_120 : memref<1x4x1x56x56xf32, #tpu.memory_space<vmem>> -> memref<4x1x56x56xf32, #tpu.memory_space<vmem>>
    %dma_start3A_122 = arith.constant 0 : i32
    %dma_start3A_123 = arith.constant 0 : i32
    %dma_start3A_124 = tpu.memref_slice %arg2[%mul3A_100, %squeeze3A_105, %dma_start3A_122, %dma_start3A_123] : memref<64x192x56x56xf32, #tpu.memory_space<hbm>> -> memref<4x1x56x56xf32, #tpu.memory_space<hbm>>
    tpu.enqueue_dma source(%dma_start3A_124 : memref<4x1x56x56xf32, #tpu.memory_space<hbm>>) target(%dma_start3A_121 : memref<4x1x56x56xf32, #tpu.memory_space<vmem>>) target_semaphore(%arg8 : memref<!tpu.dma_semaphore, #tpu.memory_space<semaphore_mem>>)
    %add3A_125 = arith.constant 2 : i32
    %add3A_126 = arith.addi %mul3A_2, %add3A_125 : i32
    %jit3A_127 = arith.constant 16 : i32
    %div3A_128 = arith.divsi %add3A_126, %jit3A_127 : i32
    %sign3A_129 = arith.constant 0 : i32
    %sign3A_130 = arith.cmpi sgt, %add3A_126, %sign3A_129 : i32
    %sign3A_131 = arith.extui %sign3A_130 : i1 to i32
    %sign3A_132 = arith.constant 0 : i32
    %sign3A_133 = arith.cmpi slt, %add3A_126, %sign3A_132 : i32
    %sign3A_134 = arith.extui %sign3A_133 : i1 to i32
    %sign3A_135 = arith.subi %sign3A_131, %sign3A_134 : i32
    %sign3A_136 = arith.constant 0 : i32
    %sign3A_137 = arith.cmpi sgt, %jit3A_127, %sign3A_136 : i32
    %sign3A_138 = arith.extui %sign3A_137 : i1 to i32
    %sign3A_139 = arith.constant 0 : i32
    %sign3A_140 = arith.cmpi slt, %jit3A_127, %sign3A_139 : i32
    %sign3A_141 = arith.extui %sign3A_140 : i1 to i32
    %sign3A_142 = arith.subi %sign3A_138, %sign3A_141 : i32
    %ne3A_143 = arith.cmpi ne, %sign3A_135, %sign3A_142 : i32
    %rem3A_144 = arith.remsi %add3A_126, %jit3A_127 : i32
    %ne3A_145 = arith.constant 0 : i32
    %ne3A_146 = arith.cmpi ne, %rem3A_144, %ne3A_145 : i32
    %and3A_147 = arith.andi %ne3A_143, %ne3A_146 : i1
    %sub3A_148 = arith.constant 1 : i32
    %sub3A_149 = arith.subi %div3A_128, %sub3A_148 : i32
    %select_n3A_150 = arith.select %and3A_147, %sub3A_149, %div3A_128 : i32
    %jit3A_151 = arith.constant 16 : i32
    %eq3A_152 = arith.constant 0 : i32
    %eq3A_153 = arith.cmpi eq, %jit3A_151, %eq3A_152 : i32
    %jit3A_154 = arith.constant 1 : i32
    %select_n3A_155 = arith.select %eq3A_153, %jit3A_154, %jit3A_151 : i32
    %rem3A_156 = arith.remsi %add3A_126, %select_n3A_155 : i32
    %ne3A_157 = arith.constant 0 : i32
    %ne3A_158 = arith.cmpi ne, %rem3A_156, %ne3A_157 : i32
    %lt3A_159 = arith.constant 0 : i32
    %lt3A_160 = arith.cmpi slt, %rem3A_156, %lt3A_159 : i32
    %lt3A_161 = arith.constant 0 : i32
    %lt3A_162 = arith.cmpi slt, %select_n3A_155, %lt3A_161 : i32
    %ne3A_163 = arith.xori %lt3A_160, %lt3A_162 : i1
    %and3A_164 = arith.andi %ne3A_163, %ne3A_158 : i1
    %add3A_165 = arith.addi %rem3A_156, %select_n3A_155 : i32
    %select_n3A_166 = arith.select %and3A_164, %add3A_165, %rem3A_156 : i32
    %mul3A_167 = arith.constant 4 : i32
    %mul3A_168 = arith.muli %select_n3A_166, %mul3A_167 : i32
    %get3A_169 = arith.index_cast %select_n3A_150 : i32 to index
    %get3A_170 = tpu.vector_load %arg5[%get3A_169] {strides = array<i32>} : memref<208xi32, #tpu.memory_space<vmem>>, vector<16xi32>,
    %get3A_171 = vector.shape_cast %get3A_170 : vector<16xi32> to vector<16xi32>
    %slice3A_172 = vector.extract_strided_slice %get3A_171 {offsets = [0], sizes = [1], strides = [1]} : vector<16xi32> to vector<1xi32>
    %squeeze3A_173 = vector.extract %slice3A_172[0] : i32 from vector<1xi32>
    %dma_start3A_174 = arith.constant 2 : i32
    %dma_start3A_175 = arith.constant 0 : i32
    %dma_start3A_176 = arith.constant 0 : i32
    %dma_start3A_177 = arith.constant 0 : i32
    %dma_start3A_178 = arith.constant 0 : i32
    %dma_start3A_179 = tpu.memref_slice %arg6[%dma_start3A_174, %dma_start3A_175, %dma_start3A_176, %dma_start3A_177, %dma_start3A_178] : memref<4x4x1x56x56xf32, #tpu.memory_space<vmem>> -> memref<1x4x1x56x56xf32, #tpu.memory_space<vmem>>
    %dma_start3A_180 = tpu.memref_squeeze %dma_start3A_179 : memref<1x4x1x56x56xf32, #tpu.memory_space<vmem>> -> memref<4x1x56x56xf32, #tpu.memory_space<vmem>>
    %dma_start3A_181 = arith.constant 0 : i32
    %dma_start3A_182 = arith.constant 0 : i32
    %dma_start3A_183 = tpu.memref_slice %arg2[%mul3A_168, %squeeze3A_173, %dma_start3A_181, %dma_start3A_182] : memref<64x192x56x56xf32, #tpu.memory_space<hbm>> -> memref<4x1x56x56xf32, #tpu.memory_space<hbm>>
    %dma_start3A_184 = arith.constant 0 : i32
    %dma_start3A_185 = arith.constant 0 : i32
    %dma_start3A_186 = arith.constant 0 : i32
    %dma_start3A_187 = arith.constant 0 : i32
    %dma_start3A_188 = tpu.memref_slice %arg6[%dma_start3A_174, %dma_start3A_184, %dma_start3A_185, %dma_start3A_186, %dma_start3A_187] : memref<4x4x1x56x56xf32, #tpu.memory_space<vmem>> -> memref<1x4x1x56x56xf32, #tpu.memory_space<vmem>>
    %dma_start3A_189 = tpu.memref_squeeze %dma_start3A_188 : memref<1x4x1x56x56xf32, #tpu.memory_space<vmem>> -> memref<4x1x56x56xf32, #tpu.memory_space<vmem>>
    %dma_start3A_190 = arith.constant 0 : i32
    %dma_start3A_191 = arith.constant 0 : i32
    %dma_start3A_192 = tpu.memref_slice %arg2[%mul3A_168, %squeeze3A_173, %dma_start3A_190, %dma_start3A_191] : memref<64x192x56x56xf32, #tpu.memory_space<hbm>> -> memref<4x1x56x56xf32, #tpu.memory_space<hbm>>
    tpu.enqueue_dma source(%dma_start3A_192 : memref<4x1x56x56xf32, #tpu.memory_space<hbm>>) target(%dma_start3A_189 : memref<4x1x56x56xf32, #tpu.memory_space<vmem>>) target_semaphore(%arg9 : memref<!tpu.dma_semaphore, #tpu.memory_space<semaphore_mem>>)
    %add3A_193 = arith.constant 3 : i32
    %add3A_194 = arith.addi %mul3A_2, %add3A_193 : i32
    %jit3A_195 = arith.constant 16 : i32
    %div3A_196 = arith.divsi %add3A_194, %jit3A_195 : i32
    %sign3A_197 = arith.constant 0 : i32
    %sign3A_198 = arith.cmpi sgt, %add3A_194, %sign3A_197 : i32
    %sign3A_199 = arith.extui %sign3A_198 : i1 to i32
    %sign3A_200 = arith.constant 0 : i32
    %sign3A_201 = arith.cmpi slt, %add3A_194, %sign3A_200 : i32
    %sign3A_202 = arith.extui %sign3A_201 : i1 to i32
    %sign3A_203 = arith.subi %sign3A_199, %sign3A_202 : i32
    %sign3A_204 = arith.constant 0 : i32
    %sign3A_205 = arith.cmpi sgt, %jit3A_195, %sign3A_204 : i32
    %sign3A_206 = arith.extui %sign3A_205 : i1 to i32
    %sign3A_207 = arith.constant 0 : i32
    %sign3A_208 = arith.cmpi slt, %jit3A_195, %sign3A_207 : i32
    %sign3A_209 = arith.extui %sign3A_208 : i1 to i32
    %sign3A_210 = arith.subi %sign3A_206, %sign3A_209 : i32
    %ne3A_211 = arith.cmpi ne, %sign3A_203, %sign3A_210 : i32
    %rem3A_212 = arith.remsi %add3A_194, %jit3A_195 : i32
    %ne3A_213 = arith.constant 0 : i32
    %ne3A_214 = arith.cmpi ne, %rem3A_212, %ne3A_213 : i32
    %and3A_215 = arith.andi %ne3A_211, %ne3A_214 : i1
    %sub3A_216 = arith.constant 1 : i32
    %sub3A_217 = arith.subi %div3A_196, %sub3A_216 : i32
    %select_n3A_218 = arith.select %and3A_215, %sub3A_217, %div3A_196 : i32
    %jit3A_219 = arith.constant 16 : i32
    %eq3A_220 = arith.constant 0 : i32
    %eq3A_221 = arith.cmpi eq, %jit3A_219, %eq3A_220 : i32
    %jit3A_222 = arith.constant 1 : i32
    %select_n3A_223 = arith.select %eq3A_221, %jit3A_222, %jit3A_219 : i32
    %rem3A_224 = arith.remsi %add3A_194, %select_n3A_223 : i32
    %ne3A_225 = arith.constant 0 : i32
    %ne3A_226 = arith.cmpi ne, %rem3A_224, %ne3A_225 : i32
    %lt3A_227 = arith.constant 0 : i32
    %lt3A_228 = arith.cmpi slt, %rem3A_224, %lt3A_227 : i32
    %lt3A_229 = arith.constant 0 : i32
    %lt3A_230 = arith.cmpi slt, %select_n3A_223, %lt3A_229 : i32
    %ne3A_231 = arith.xori %lt3A_228, %lt3A_230 : i1
    %and3A_232 = arith.andi %ne3A_231, %ne3A_226 : i1
    %add3A_233 = arith.addi %rem3A_224, %select_n3A_223 : i32
    %select_n3A_234 = arith.select %and3A_232, %add3A_233, %rem3A_224 : i32
    %mul3A_235 = arith.constant 4 : i32
    %mul3A_236 = arith.muli %select_n3A_234, %mul3A_235 : i32
    %get3A_237 = arith.index_cast %select_n3A_218 : i32 to index
    %get3A_238 = tpu.vector_load %arg5[%get3A_237] {strides = array<i32>} : memref<208xi32, #tpu.memory_space<vmem>>, vector<16xi32>,
    %get3A_239 = vector.shape_cast %get3A_238 : vector<16xi32> to vector<16xi32>
    %slice3A_240 = vector.extract_strided_slice %get3A_239 {offsets = [0], sizes = [1], strides = [1]} : vector<16xi32> to vector<1xi32>
    %squeeze3A_241 = vector.extract %slice3A_240[0] : i32 from vector<1xi32>
    %dma_start3A_242 = arith.constant 3 : i32
    %dma_start3A_243 = arith.constant 0 : i32
    %dma_start3A_244 = arith.constant 0 : i32
    %dma_start3A_245 = arith.constant 0 : i32
    %dma_start3A_246 = arith.constant 0 : i32
    %dma_start3A_247 = tpu.memref_slice %arg6[%dma_start3A_242, %dma_start3A_243, %dma_start3A_244, %dma_start3A_245, %dma_start3A_246] : memref<4x4x1x56x56xf32, #tpu.memory_space<vmem>> -> memref<1x4x1x56x56xf32, #tpu.memory_space<vmem>>
    %dma_start3A_248 = tpu.memref_squeeze %dma_start3A_247 : memref<1x4x1x56x56xf32, #tpu.memory_space<vmem>> -> memref<4x1x56x56xf32, #tpu.memory_space<vmem>>
    %dma_start3A_249 = arith.constant 0 : i32
    %dma_start3A_250 = arith.constant 0 : i32
    %dma_start3A_251 = tpu.memref_slice %arg2[%mul3A_236, %squeeze3A_241, %dma_start3A_249, %dma_start3A_250] : memref<64x192x56x56xf32, #tpu.memory_space<hbm>> -> memref<4x1x56x56xf32, #tpu.memory_space<hbm>>
    %dma_start3A_252 = arith.constant 0 : i32
    %dma_start3A_253 = arith.constant 0 : i32
    %dma_start3A_254 = arith.constant 0 : i32
    %dma_start3A_255 = arith.constant 0 : i32
    %dma_start3A_256 = tpu.memref_slice %arg6[%dma_start3A_242, %dma_start3A_252, %dma_start3A_253, %dma_start3A_254, %dma_start3A_255] : memref<4x4x1x56x56xf32, #tpu.memory_space<vmem>> -> memref<1x4x1x56x56xf32, #tpu.memory_space<vmem>>
    %dma_start3A_257 = tpu.memref_squeeze %dma_start3A_256 : memref<1x4x1x56x56xf32, #tpu.memory_space<vmem>> -> memref<4x1x56x56xf32, #tpu.memory_space<vmem>>
    %dma_start3A_258 = arith.constant 0 : i32
    %dma_start3A_259 = arith.constant 0 : i32
    %dma_start3A_260 = tpu.memref_slice %arg2[%mul3A_236, %squeeze3A_241, %dma_start3A_258, %dma_start3A_259] : memref<64x192x56x56xf32, #tpu.memory_space<hbm>> -> memref<4x1x56x56xf32, #tpu.memory_space<hbm>>
    tpu.enqueue_dma source(%dma_start3A_260 : memref<4x1x56x56xf32, #tpu.memory_space<hbm>>) target(%dma_start3A_257 : memref<4x1x56x56xf32, #tpu.memory_space<vmem>>) target_semaphore(%arg10 : memref<!tpu.dma_semaphore, #tpu.memory_space<semaphore_mem>>)
    %scan3A = arith.constant 0 : i32
    %scan3A_261 = arith.constant 0 : i32
    %scan3A_262 = arith.constant 24 : i32
    %scan3A_263 = arith.addi %scan3A_261, %scan3A_262 : i32
    %scan3A_264 = arith.constant 1 : i32
    scf.for %scan3A_266 = %scan3A_261 to %scan3A_263 step %scan3A_264  : i32 {
      %mul3A_267 = arith.constant 4 : i32
      %mul3A_268 = arith.muli %scan3A_266, %mul3A_267 : i32
      %add3A_269 = arith.addi %mul3A_2, %mul3A_268 : i32
      %add3A_270 = arith.constant 0 : i32
      %add3A_271 = arith.addi %add3A_269, %add3A_270 : i32
      %mul3A_272 = arith.constant 4 : i32
      %mul3A_273 = arith.muli %scan3A_266, %mul3A_272 : i32
      %add3A_274 = arith.addi %mul3A_2, %mul3A_273 : i32
      %add3A_275 = arith.constant 1 : i32
      %add3A_276 = arith.addi %add3A_274, %add3A_275 : i32
      %mul3A_277 = arith.constant 4 : i32
      %mul3A_278 = arith.muli %scan3A_266, %mul3A_277 : i32
      %add3A_279 = arith.addi %mul3A_2, %mul3A_278 : i32
      %add3A_280 = arith.constant 2 : i32
      %add3A_281 = arith.addi %add3A_279, %add3A_280 : i32
      %mul3A_282 = arith.constant 4 : i32
      %mul3A_283 = arith.muli %scan3A_266, %mul3A_282 : i32
      %add3A_284 = arith.addi %mul3A_2, %mul3A_283 : i32
      %add3A_285 = arith.constant 3 : i32
      %add3A_286 = arith.addi %add3A_284, %add3A_285 : i32
      %dma_wait3A = arith.constant 0 : i32
      %dma_wait3A_287 = arith.constant 0 : i32
      %dma_wait3A_288 = arith.constant 0 : i32
      %dma_wait3A_289 = arith.constant 0 : i32
      %dma_wait3A_290 = arith.constant 0 : i32
      %dma_wait3A_291 = tpu.memref_slice %arg6[%dma_wait3A, %dma_wait3A_287, %dma_wait3A_288, %dma_wait3A_289, %dma_wait3A_290] : memref<4x4x1x56x56xf32, #tpu.memory_space<vmem>> -> memref<1x4x1x56x56xf32, #tpu.memory_space<vmem>>
      %dma_wait3A_292 = tpu.memref_squeeze %dma_wait3A_291 : memref<1x4x1x56x56xf32, #tpu.memory_space<vmem>> -> memref<4x1x56x56xf32, #tpu.memory_space<vmem>>
      %dma_wait3A_293 = arith.constant 0 : i32
      %dma_wait3A_294 = arith.constant 0 : i32
      %dma_wait3A_295 = arith.constant 0 : i32
      %dma_wait3A_296 = arith.constant 0 : i32
      %dma_wait3A_297 = tpu.memref_slice %arg2[%dma_wait3A_293, %dma_wait3A_294, %dma_wait3A_295, %dma_wait3A_296] : memref<64x192x56x56xf32, #tpu.memory_space<hbm>> -> memref<4x1x56x56xf32, #tpu.memory_space<hbm>>
      %dma_wait3A_298 = arith.constant 0 : i32
      %dma_wait3A_299 = arith.constant 0 : i32
      %dma_wait3A_300 = arith.constant 0 : i32
      %dma_wait3A_301 = arith.constant 0 : i32
      %dma_wait3A_302 = tpu.memref_slice %arg6[%dma_wait3A, %dma_wait3A_298, %dma_wait3A_299, %dma_wait3A_300, %dma_wait3A_301] : memref<4x4x1x56x56xf32, #tpu.memory_space<vmem>> -> memref<1x4x1x56x56xf32, #tpu.memory_space<vmem>>
      %dma_wait3A_303 = tpu.memref_squeeze %dma_wait3A_302 : memref<1x4x1x56x56xf32, #tpu.memory_space<vmem>> -> memref<4x1x56x56xf32, #tpu.memory_space<vmem>>
      %dma_wait3A_304 = arith.constant 0 : i32
      %dma_wait3A_305 = arith.constant 0 : i32
      %dma_wait3A_306 = arith.constant 0 : i32
      %dma_wait3A_307 = arith.constant 0 : i32
      %dma_wait3A_308 = tpu.memref_slice %arg2[%dma_wait3A_304, %dma_wait3A_305, %dma_wait3A_306, %dma_wait3A_307] : memref<64x192x56x56xf32, #tpu.memory_space<hbm>> -> memref<4x1x56x56xf32, #tpu.memory_space<hbm>>
      tpu.wait_dma2 semaphore(%arg7 : memref<!tpu.dma_semaphore, #tpu.memory_space<semaphore_mem>>) src(%dma_wait3A_308 : memref<4x1x56x56xf32, #tpu.memory_space<hbm>>) dst(%dma_wait3A_303 : memref<4x1x56x56xf32, #tpu.memory_space<vmem>>)
      %jit3A_309 = arith.constant 16 : i32
      %div3A_310 = arith.divsi %add3A_271, %jit3A_309 : i32
      %sign3A_311 = arith.constant 0 : i32
      %sign3A_312 = arith.cmpi sgt, %add3A_271, %sign3A_311 : i32
      %sign3A_313 = arith.extui %sign3A_312 : i1 to i32
      %sign3A_314 = arith.constant 0 : i32
      %sign3A_315 = arith.cmpi slt, %add3A_271, %sign3A_314 : i32
      %sign3A_316 = arith.extui %sign3A_315 : i1 to i32
      %sign3A_317 = arith.subi %sign3A_313, %sign3A_316 : i32
      %sign3A_318 = arith.constant 0 : i32
      %sign3A_319 = arith.cmpi sgt, %jit3A_309, %sign3A_318 : i32
      %sign3A_320 = arith.extui %sign3A_319 : i1 to i32
      %sign3A_321 = arith.constant 0 : i32
      %sign3A_322 = arith.cmpi slt, %jit3A_309, %sign3A_321 : i32
      %sign3A_323 = arith.extui %sign3A_322 : i1 to i32
      %sign3A_324 = arith.subi %sign3A_320, %sign3A_323 : i32
      %ne3A_325 = arith.cmpi ne, %sign3A_317, %sign3A_324 : i32
      %rem3A_326 = arith.remsi %add3A_271, %jit3A_309 : i32
      %ne3A_327 = arith.constant 0 : i32
      %ne3A_328 = arith.cmpi ne, %rem3A_326, %ne3A_327 : i32
      %and3A_329 = arith.andi %ne3A_325, %ne3A_328 : i1
      %sub3A_330 = arith.constant 1 : i32
      %sub3A_331 = arith.subi %div3A_310, %sub3A_330 : i32
      %select_n3A_332 = arith.select %and3A_329, %sub3A_331, %div3A_310 : i32
      %jit3A_333 = arith.constant 16 : i32
      %eq3A_334 = arith.constant 0 : i32
      %eq3A_335 = arith.cmpi eq, %jit3A_333, %eq3A_334 : i32
      %jit3A_336 = arith.constant 1 : i32
      %select_n3A_337 = arith.select %eq3A_335, %jit3A_336, %jit3A_333 : i32
      %rem3A_338 = arith.remsi %add3A_271, %select_n3A_337 : i32
      %ne3A_339 = arith.constant 0 : i32
      %ne3A_340 = arith.cmpi ne, %rem3A_338, %ne3A_339 : i32
      %lt3A_341 = arith.constant 0 : i32
      %lt3A_342 = arith.cmpi slt, %rem3A_338, %lt3A_341 : i32
      %lt3A_343 = arith.constant 0 : i32
      %lt3A_344 = arith.cmpi slt, %select_n3A_337, %lt3A_343 : i32
      %ne3A_345 = arith.xori %lt3A_342, %lt3A_344 : i1
      %and3A_346 = arith.andi %ne3A_345, %ne3A_340 : i1
      %add3A_347 = arith.addi %rem3A_338, %select_n3A_337 : i32
      %select_n3A_348 = arith.select %and3A_346, %add3A_347, %rem3A_338 : i32
      %mul3A_349 = arith.constant 4 : i32
      %mul3A_350 = arith.muli %select_n3A_348, %mul3A_349 : i32
      %dma_start3A_351 = arith.constant 0 : i32
      %dma_start3A_352 = arith.constant 0 : i32
      %dma_start3A_353 = arith.constant 0 : i32
      %dma_start3A_354 = arith.constant 0 : i32
      %dma_start3A_355 = arith.constant 0 : i32
      %dma_start3A_356 = tpu.memref_slice %arg6[%dma_start3A_351, %dma_start3A_352, %dma_start3A_353, %dma_start3A_354, %dma_start3A_355] : memref<4x4x1x56x56xf32, #tpu.memory_space<vmem>> -> memref<1x4x1x56x56xf32, #tpu.memory_space<vmem>>
      %dma_start3A_357 = tpu.memref_squeeze %dma_start3A_356 : memref<1x4x1x56x56xf32, #tpu.memory_space<vmem>> -> memref<4x1x56x56xf32, #tpu.memory_space<vmem>>
      %dma_start3A_358 = arith.constant 0 : i32
      %dma_start3A_359 = arith.constant 0 : i32
      %dma_start3A_360 = tpu.memref_slice %arg4[%mul3A_350, %select_n3A_332, %dma_start3A_358, %dma_start3A_359] : memref<64x192x56x56xf32, #tpu.memory_space<hbm>> -> memref<4x1x56x56xf32, #tpu.memory_space<hbm>>
      %dma_start3A_361 = arith.constant 0 : i32
      %dma_start3A_362 = arith.constant 0 : i32
      %dma_start3A_363 = tpu.memref_slice %arg4[%mul3A_350, %select_n3A_332, %dma_start3A_361, %dma_start3A_362] : memref<64x192x56x56xf32, #tpu.memory_space<hbm>> -> memref<4x1x56x56xf32, #tpu.memory_space<hbm>>
      %dma_start3A_364 = arith.constant 0 : i32
      %dma_start3A_365 = arith.constant 0 : i32
      %dma_start3A_366 = arith.constant 0 : i32
      %dma_start3A_367 = arith.constant 0 : i32
      %dma_start3A_368 = tpu.memref_slice %arg6[%dma_start3A_351, %dma_start3A_364, %dma_start3A_365, %dma_start3A_366, %dma_start3A_367] : memref<4x4x1x56x56xf32, #tpu.memory_space<vmem>> -> memref<1x4x1x56x56xf32, #tpu.memory_space<vmem>>
      %dma_start3A_369 = tpu.memref_squeeze %dma_start3A_368 : memref<1x4x1x56x56xf32, #tpu.memory_space<vmem>> -> memref<4x1x56x56xf32, #tpu.memory_space<vmem>>
      tpu.enqueue_dma source(%dma_start3A_369 : memref<4x1x56x56xf32, #tpu.memory_space<vmem>>) target(%dma_start3A_363 : memref<4x1x56x56xf32, #tpu.memory_space<hbm>>) target_semaphore(%arg11 : memref<!tpu.dma_semaphore, #tpu.memory_space<semaphore_mem>>)
      %dma_wait3A_370 = arith.constant 1 : i32
      %dma_wait3A_371 = arith.constant 0 : i32
      %dma_wait3A_372 = arith.constant 0 : i32
      %dma_wait3A_373 = arith.constant 0 : i32
      %dma_wait3A_374 = arith.constant 0 : i32
      %dma_wait3A_375 = tpu.memref_slice %arg6[%dma_wait3A_370, %dma_wait3A_371, %dma_wait3A_372, %dma_wait3A_373, %dma_wait3A_374] : memref<4x4x1x56x56xf32, #tpu.memory_space<vmem>> -> memref<1x4x1x56x56xf32, #tpu.memory_space<vmem>>
      %dma_wait3A_376 = tpu.memref_squeeze %dma_wait3A_375 : memref<1x4x1x56x56xf32, #tpu.memory_space<vmem>> -> memref<4x1x56x56xf32, #tpu.memory_space<vmem>>
      %dma_wait3A_377 = arith.constant 0 : i32
      %dma_wait3A_378 = arith.constant 0 : i32
      %dma_wait3A_379 = arith.constant 0 : i32
      %dma_wait3A_380 = arith.constant 0 : i32
      %dma_wait3A_381 = tpu.memref_slice %arg2[%dma_wait3A_377, %dma_wait3A_378, %dma_wait3A_379, %dma_wait3A_380] : memref<64x192x56x56xf32, #tpu.memory_space<hbm>> -> memref<4x1x56x56xf32, #tpu.memory_space<hbm>>
      %dma_wait3A_382 = arith.constant 0 : i32
      %dma_wait3A_383 = arith.constant 0 : i32
      %dma_wait3A_384 = arith.constant 0 : i32
      %dma_wait3A_385 = arith.constant 0 : i32
      %dma_wait3A_386 = tpu.memref_slice %arg6[%dma_wait3A_370, %dma_wait3A_382, %dma_wait3A_383, %dma_wait3A_384, %dma_wait3A_385] : memref<4x4x1x56x56xf32, #tpu.memory_space<vmem>> -> memref<1x4x1x56x56xf32, #tpu.memory_space<vmem>>
      %dma_wait3A_387 = tpu.memref_squeeze %dma_wait3A_386 : memref<1x4x1x56x56xf32, #tpu.memory_space<vmem>> -> memref<4x1x56x56xf32, #tpu.memory_space<vmem>>
      %dma_wait3A_388 = arith.constant 0 : i32
      %dma_wait3A_389 = arith.constant 0 : i32
      %dma_wait3A_390 = arith.constant 0 : i32
      %dma_wait3A_391 = arith.constant 0 : i32
      %dma_wait3A_392 = tpu.memref_slice %arg2[%dma_wait3A_388, %dma_wait3A_389, %dma_wait3A_390, %dma_wait3A_391] : memref<64x192x56x56xf32, #tpu.memory_space<hbm>> -> memref<4x1x56x56xf32, #tpu.memory_space<hbm>>
      tpu.wait_dma2 semaphore(%arg8 : memref<!tpu.dma_semaphore, #tpu.memory_space<semaphore_mem>>) src(%dma_wait3A_392 : memref<4x1x56x56xf32, #tpu.memory_space<hbm>>) dst(%dma_wait3A_387 : memref<4x1x56x56xf32, #tpu.memory_space<vmem>>)
      %jit3A_393 = arith.constant 16 : i32
      %div3A_394 = arith.divsi %add3A_276, %jit3A_393 : i32
      %sign3A_395 = arith.constant 0 : i32
      %sign3A_396 = arith.cmpi sgt, %add3A_276, %sign3A_395 : i32
      %sign3A_397 = arith.extui %sign3A_396 : i1 to i32
      %sign3A_398 = arith.constant 0 : i32
      %sign3A_399 = arith.cmpi slt, %add3A_276, %sign3A_398 : i32
      %sign3A_400 = arith.extui %sign3A_399 : i1 to i32
      %sign3A_401 = arith.subi %sign3A_397, %sign3A_400 : i32
      %sign3A_402 = arith.constant 0 : i32
      %sign3A_403 = arith.cmpi sgt, %jit3A_393, %sign3A_402 : i32
      %sign3A_404 = arith.extui %sign3A_403 : i1 to i32
      %sign3A_405 = arith.constant 0 : i32
      %sign3A_406 = arith.cmpi slt, %jit3A_393, %sign3A_405 : i32
      %sign3A_407 = arith.extui %sign3A_406 : i1 to i32
      %sign3A_408 = arith.subi %sign3A_404, %sign3A_407 : i32
      %ne3A_409 = arith.cmpi ne, %sign3A_401, %sign3A_408 : i32
      %rem3A_410 = arith.remsi %add3A_276, %jit3A_393 : i32
      %ne3A_411 = arith.constant 0 : i32
      %ne3A_412 = arith.cmpi ne, %rem3A_410, %ne3A_411 : i32
      %and3A_413 = arith.andi %ne3A_409, %ne3A_412 : i1
      %sub3A_414 = arith.constant 1 : i32
      %sub3A_415 = arith.subi %div3A_394, %sub3A_414 : i32
      %select_n3A_416 = arith.select %and3A_413, %sub3A_415, %div3A_394 : i32
      %jit3A_417 = arith.constant 16 : i32
      %eq3A_418 = arith.constant 0 : i32
      %eq3A_419 = arith.cmpi eq, %jit3A_417, %eq3A_418 : i32
      %jit3A_420 = arith.constant 1 : i32
      %select_n3A_421 = arith.select %eq3A_419, %jit3A_420, %jit3A_417 : i32
      %rem3A_422 = arith.remsi %add3A_276, %select_n3A_421 : i32
      %ne3A_423 = arith.constant 0 : i32
      %ne3A_424 = arith.cmpi ne, %rem3A_422, %ne3A_423 : i32
      %lt3A_425 = arith.constant 0 : i32
      %lt3A_426 = arith.cmpi slt, %rem3A_422, %lt3A_425 : i32
      %lt3A_427 = arith.constant 0 : i32
      %lt3A_428 = arith.cmpi slt, %select_n3A_421, %lt3A_427 : i32
      %ne3A_429 = arith.xori %lt3A_426, %lt3A_428 : i1
      %and3A_430 = arith.andi %ne3A_429, %ne3A_424 : i1
      %add3A_431 = arith.addi %rem3A_422, %select_n3A_421 : i32
      %select_n3A_432 = arith.select %and3A_430, %add3A_431, %rem3A_422 : i32
      %mul3A_433 = arith.constant 4 : i32
      %mul3A_434 = arith.muli %select_n3A_432, %mul3A_433 : i32
      %dma_start3A_435 = arith.constant 1 : i32
      %dma_start3A_436 = arith.constant 0 : i32
      %dma_start3A_437 = arith.constant 0 : i32
      %dma_start3A_438 = arith.constant 0 : i32
      %dma_start3A_439 = arith.constant 0 : i32
      %dma_start3A_440 = tpu.memref_slice %arg6[%dma_start3A_435, %dma_start3A_436, %dma_start3A_437, %dma_start3A_438, %dma_start3A_439] : memref<4x4x1x56x56xf32, #tpu.memory_space<vmem>> -> memref<1x4x1x56x56xf32, #tpu.memory_space<vmem>>
      %dma_start3A_441 = tpu.memref_squeeze %dma_start3A_440 : memref<1x4x1x56x56xf32, #tpu.memory_space<vmem>> -> memref<4x1x56x56xf32, #tpu.memory_space<vmem>>
      %dma_start3A_442 = arith.constant 0 : i32
      %dma_start3A_443 = arith.constant 0 : i32
      %dma_start3A_444 = tpu.memref_slice %arg4[%mul3A_434, %select_n3A_416, %dma_start3A_442, %dma_start3A_443] : memref<64x192x56x56xf32, #tpu.memory_space<hbm>> -> memref<4x1x56x56xf32, #tpu.memory_space<hbm>>
      %dma_start3A_445 = arith.constant 0 : i32
      %dma_start3A_446 = arith.constant 0 : i32
      %dma_start3A_447 = tpu.memref_slice %arg4[%mul3A_434, %select_n3A_416, %dma_start3A_445, %dma_start3A_446] : memref<64x192x56x56xf32, #tpu.memory_space<hbm>> -> memref<4x1x56x56xf32, #tpu.memory_space<hbm>>
      %dma_start3A_448 = arith.constant 0 : i32
      %dma_start3A_449 = arith.constant 0 : i32
      %dma_start3A_450 = arith.constant 0 : i32
      %dma_start3A_451 = arith.constant 0 : i32
      %dma_start3A_452 = tpu.memref_slice %arg6[%dma_start3A_435, %dma_start3A_448, %dma_start3A_449, %dma_start3A_450, %dma_start3A_451] : memref<4x4x1x56x56xf32, #tpu.memory_space<vmem>> -> memref<1x4x1x56x56xf32, #tpu.memory_space<vmem>>
      %dma_start3A_453 = tpu.memref_squeeze %dma_start3A_452 : memref<1x4x1x56x56xf32, #tpu.memory_space<vmem>> -> memref<4x1x56x56xf32, #tpu.memory_space<vmem>>
      tpu.enqueue_dma source(%dma_start3A_453 : memref<4x1x56x56xf32, #tpu.memory_space<vmem>>) target(%dma_start3A_447 : memref<4x1x56x56xf32, #tpu.memory_space<hbm>>) target_semaphore(%arg12 : memref<!tpu.dma_semaphore, #tpu.memory_space<semaphore_mem>>)
      %dma_wait3A_454 = arith.constant 2 : i32
      %dma_wait3A_455 = arith.constant 0 : i32
      %dma_wait3A_456 = arith.constant 0 : i32
      %dma_wait3A_457 = arith.constant 0 : i32
      %dma_wait3A_458 = arith.constant 0 : i32
      %dma_wait3A_459 = tpu.memref_slice %arg6[%dma_wait3A_454, %dma_wait3A_455, %dma_wait3A_456, %dma_wait3A_457, %dma_wait3A_458] : memref<4x4x1x56x56xf32, #tpu.memory_space<vmem>> -> memref<1x4x1x56x56xf32, #tpu.memory_space<vmem>>
      %dma_wait3A_460 = tpu.memref_squeeze %dma_wait3A_459 : memref<1x4x1x56x56xf32, #tpu.memory_space<vmem>> -> memref<4x1x56x56xf32, #tpu.memory_space<vmem>>
      %dma_wait3A_461 = arith.constant 0 : i32
      %dma_wait3A_462 = arith.constant 0 : i32
      %dma_wait3A_463 = arith.constant 0 : i32
      %dma_wait3A_464 = arith.constant 0 : i32
      %dma_wait3A_465 = tpu.memref_slice %arg2[%dma_wait3A_461, %dma_wait3A_462, %dma_wait3A_463, %dma_wait3A_464] : memref<64x192x56x56xf32, #tpu.memory_space<hbm>> -> memref<4x1x56x56xf32, #tpu.memory_space<hbm>>
      %dma_wait3A_466 = arith.constant 0 : i32
      %dma_wait3A_467 = arith.constant 0 : i32
      %dma_wait3A_468 = arith.constant 0 : i32
      %dma_wait3A_469 = arith.constant 0 : i32
      %dma_wait3A_470 = tpu.memref_slice %arg6[%dma_wait3A_454, %dma_wait3A_466, %dma_wait3A_467, %dma_wait3A_468, %dma_wait3A_469] : memref<4x4x1x56x56xf32, #tpu.memory_space<vmem>> -> memref<1x4x1x56x56xf32, #tpu.memory_space<vmem>>
      %dma_wait3A_471 = tpu.memref_squeeze %dma_wait3A_470 : memref<1x4x1x56x56xf32, #tpu.memory_space<vmem>> -> memref<4x1x56x56xf32, #tpu.memory_space<vmem>>
      %dma_wait3A_472 = arith.constant 0 : i32
      %dma_wait3A_473 = arith.constant 0 : i32
      %dma_wait3A_474 = arith.constant 0 : i32
      %dma_wait3A_475 = arith.constant 0 : i32
      %dma_wait3A_476 = tpu.memref_slice %arg2[%dma_wait3A_472, %dma_wait3A_473, %dma_wait3A_474, %dma_wait3A_475] : memref<64x192x56x56xf32, #tpu.memory_space<hbm>> -> memref<4x1x56x56xf32, #tpu.memory_space<hbm>>
      tpu.wait_dma2 semaphore(%arg9 : memref<!tpu.dma_semaphore, #tpu.memory_space<semaphore_mem>>) src(%dma_wait3A_476 : memref<4x1x56x56xf32, #tpu.memory_space<hbm>>) dst(%dma_wait3A_471 : memref<4x1x56x56xf32, #tpu.memory_space<vmem>>)
      %jit3A_477 = arith.constant 16 : i32
      %div3A_478 = arith.divsi %add3A_281, %jit3A_477 : i32
      %sign3A_479 = arith.constant 0 : i32
      %sign3A_480 = arith.cmpi sgt, %add3A_281, %sign3A_479 : i32
      %sign3A_481 = arith.extui %sign3A_480 : i1 to i32
      %sign3A_482 = arith.constant 0 : i32
      %sign3A_483 = arith.cmpi slt, %add3A_281, %sign3A_482 : i32
      %sign3A_484 = arith.extui %sign3A_483 : i1 to i32
      %sign3A_485 = arith.subi %sign3A_481, %sign3A_484 : i32
      %sign3A_486 = arith.constant 0 : i32
      %sign3A_487 = arith.cmpi sgt, %jit3A_477, %sign3A_486 : i32
      %sign3A_488 = arith.extui %sign3A_487 : i1 to i32
      %sign3A_489 = arith.constant 0 : i32
      %sign3A_490 = arith.cmpi slt, %jit3A_477, %sign3A_489 : i32
      %sign3A_491 = arith.extui %sign3A_490 : i1 to i32
      %sign3A_492 = arith.subi %sign3A_488, %sign3A_491 : i32
      %ne3A_493 = arith.cmpi ne, %sign3A_485, %sign3A_492 : i32
      %rem3A_494 = arith.remsi %add3A_281, %jit3A_477 : i32
      %ne3A_495 = arith.constant 0 : i32
      %ne3A_496 = arith.cmpi ne, %rem3A_494, %ne3A_495 : i32
      %and3A_497 = arith.andi %ne3A_493, %ne3A_496 : i1
      %sub3A_498 = arith.constant 1 : i32
      %sub3A_499 = arith.subi %div3A_478, %sub3A_498 : i32
      %select_n3A_500 = arith.select %and3A_497, %sub3A_499, %div3A_478 : i32
      %jit3A_501 = arith.constant 16 : i32
      %eq3A_502 = arith.constant 0 : i32
      %eq3A_503 = arith.cmpi eq, %jit3A_501, %eq3A_502 : i32
      %jit3A_504 = arith.constant 1 : i32
      %select_n3A_505 = arith.select %eq3A_503, %jit3A_504, %jit3A_501 : i32
      %rem3A_506 = arith.remsi %add3A_281, %select_n3A_505 : i32
      %ne3A_507 = arith.constant 0 : i32
      %ne3A_508 = arith.cmpi ne, %rem3A_506, %ne3A_507 : i32
      %lt3A_509 = arith.constant 0 : i32
      %lt3A_510 = arith.cmpi slt, %rem3A_506, %lt3A_509 : i32
      %lt3A_511 = arith.constant 0 : i32
      %lt3A_512 = arith.cmpi slt, %select_n3A_505, %lt3A_511 : i32
      %ne3A_513 = arith.xori %lt3A_510, %lt3A_512 : i1
      %and3A_514 = arith.andi %ne3A_513, %ne3A_508 : i1
      %add3A_515 = arith.addi %rem3A_506, %select_n3A_505 : i32
      %select_n3A_516 = arith.select %and3A_514, %add3A_515, %rem3A_506 : i32
      %mul3A_517 = arith.constant 4 : i32
      %mul3A_518 = arith.muli %select_n3A_516, %mul3A_517 : i32
      %dma_start3A_519 = arith.constant 2 : i32
      %dma_start3A_520 = arith.constant 0 : i32
      %dma_start3A_521 = arith.constant 0 : i32
      %dma_start3A_522 = arith.constant 0 : i32
      %dma_start3A_523 = arith.constant 0 : i32
      %dma_start3A_524 = tpu.memref_slice %arg6[%dma_start3A_519, %dma_start3A_520, %dma_start3A_521, %dma_start3A_522, %dma_start3A_523] : memref<4x4x1x56x56xf32, #tpu.memory_space<vmem>> -> memref<1x4x1x56x56xf32, #tpu.memory_space<vmem>>
      %dma_start3A_525 = tpu.memref_squeeze %dma_start3A_524 : memref<1x4x1x56x56xf32, #tpu.memory_space<vmem>> -> memref<4x1x56x56xf32, #tpu.memory_space<vmem>>
      %dma_start3A_526 = arith.constant 0 : i32
      %dma_start3A_527 = arith.constant 0 : i32
      %dma_start3A_528 = tpu.memref_slice %arg4[%mul3A_518, %select_n3A_500, %dma_start3A_526, %dma_start3A_527] : memref<64x192x56x56xf32, #tpu.memory_space<hbm>> -> memref<4x1x56x56xf32, #tpu.memory_space<hbm>>
      %dma_start3A_529 = arith.constant 0 : i32
      %dma_start3A_530 = arith.constant 0 : i32
      %dma_start3A_531 = tpu.memref_slice %arg4[%mul3A_518, %select_n3A_500, %dma_start3A_529, %dma_start3A_530] : memref<64x192x56x56xf32, #tpu.memory_space<hbm>> -> memref<4x1x56x56xf32, #tpu.memory_space<hbm>>
      %dma_start3A_532 = arith.constant 0 : i32
      %dma_start3A_533 = arith.constant 0 : i32
      %dma_start3A_534 = arith.constant 0 : i32
      %dma_start3A_535 = arith.constant 0 : i32
      %dma_start3A_536 = tpu.memref_slice %arg6[%dma_start3A_519, %dma_start3A_532, %dma_start3A_533, %dma_start3A_534, %dma_start3A_535] : memref<4x4x1x56x56xf32, #tpu.memory_space<vmem>> -> memref<1x4x1x56x56xf32, #tpu.memory_space<vmem>>
      %dma_start3A_537 = tpu.memref_squeeze %dma_start3A_536 : memref<1x4x1x56x56xf32, #tpu.memory_space<vmem>> -> memref<4x1x56x56xf32, #tpu.memory_space<vmem>>
      tpu.enqueue_dma source(%dma_start3A_537 : memref<4x1x56x56xf32, #tpu.memory_space<vmem>>) target(%dma_start3A_531 : memref<4x1x56x56xf32, #tpu.memory_space<hbm>>) target_semaphore(%arg13 : memref<!tpu.dma_semaphore, #tpu.memory_space<semaphore_mem>>)
      %dma_wait3A_538 = arith.constant 3 : i32
      %dma_wait3A_539 = arith.constant 0 : i32
      %dma_wait3A_540 = arith.constant 0 : i32
      %dma_wait3A_541 = arith.constant 0 : i32
      %dma_wait3A_542 = arith.constant 0 : i32
      %dma_wait3A_543 = tpu.memref_slice %arg6[%dma_wait3A_538, %dma_wait3A_539, %dma_wait3A_540, %dma_wait3A_541, %dma_wait3A_542] : memref<4x4x1x56x56xf32, #tpu.memory_space<vmem>> -> memref<1x4x1x56x56xf32, #tpu.memory_space<vmem>>
      %dma_wait3A_544 = tpu.memref_squeeze %dma_wait3A_543 : memref<1x4x1x56x56xf32, #tpu.memory_space<vmem>> -> memref<4x1x56x56xf32, #tpu.memory_space<vmem>>
      %dma_wait3A_545 = arith.constant 0 : i32
      %dma_wait3A_546 = arith.constant 0 : i32
      %dma_wait3A_547 = arith.constant 0 : i32
      %dma_wait3A_548 = arith.constant 0 : i32
      %dma_wait3A_549 = tpu.memref_slice %arg2[%dma_wait3A_545, %dma_wait3A_546, %dma_wait3A_547, %dma_wait3A_548] : memref<64x192x56x56xf32, #tpu.memory_space<hbm>> -> memref<4x1x56x56xf32, #tpu.memory_space<hbm>>
      %dma_wait3A_550 = arith.constant 0 : i32
      %dma_wait3A_551 = arith.constant 0 : i32
      %dma_wait3A_552 = arith.constant 0 : i32
      %dma_wait3A_553 = arith.constant 0 : i32
      %dma_wait3A_554 = tpu.memref_slice %arg6[%dma_wait3A_538, %dma_wait3A_550, %dma_wait3A_551, %dma_wait3A_552, %dma_wait3A_553] : memref<4x4x1x56x56xf32, #tpu.memory_space<vmem>> -> memref<1x4x1x56x56xf32, #tpu.memory_space<vmem>>
      %dma_wait3A_555 = tpu.memref_squeeze %dma_wait3A_554 : memref<1x4x1x56x56xf32, #tpu.memory_space<vmem>> -> memref<4x1x56x56xf32, #tpu.memory_space<vmem>>
      %dma_wait3A_556 = arith.constant 0 : i32
      %dma_wait3A_557 = arith.constant 0 : i32
      %dma_wait3A_558 = arith.constant 0 : i32
      %dma_wait3A_559 = arith.constant 0 : i32
      %dma_wait3A_560 = tpu.memref_slice %arg2[%dma_wait3A_556, %dma_wait3A_557, %dma_wait3A_558, %dma_wait3A_559] : memref<64x192x56x56xf32, #tpu.memory_space<hbm>> -> memref<4x1x56x56xf32, #tpu.memory_space<hbm>>
      tpu.wait_dma2 semaphore(%arg10 : memref<!tpu.dma_semaphore, #tpu.memory_space<semaphore_mem>>) src(%dma_wait3A_560 : memref<4x1x56x56xf32, #tpu.memory_space<hbm>>) dst(%dma_wait3A_555 : memref<4x1x56x56xf32, #tpu.memory_space<vmem>>)
      %jit3A_561 = arith.constant 16 : i32
      %div3A_562 = arith.divsi %add3A_286, %jit3A_561 : i32
      %sign3A_563 = arith.constant 0 : i32
      %sign3A_564 = arith.cmpi sgt, %add3A_286, %sign3A_563 : i32
      %sign3A_565 = arith.extui %sign3A_564 : i1 to i32
      %sign3A_566 = arith.constant 0 : i32
      %sign3A_567 = arith.cmpi slt, %add3A_286, %sign3A_566 : i32
      %sign3A_568 = arith.extui %sign3A_567 : i1 to i32
      %sign3A_569 = arith.subi %sign3A_565, %sign3A_568 : i32
      %sign3A_570 = arith.constant 0 : i32
      %sign3A_571 = arith.cmpi sgt, %jit3A_561, %sign3A_570 : i32
      %sign3A_572 = arith.extui %sign3A_571 : i1 to i32
      %sign3A_573 = arith.constant 0 : i32
      %sign3A_574 = arith.cmpi slt, %jit3A_561, %sign3A_573 : i32
      %sign3A_575 = arith.extui %sign3A_574 : i1 to i32
      %sign3A_576 = arith.subi %sign3A_572, %sign3A_575 : i32
      %ne3A_577 = arith.cmpi ne, %sign3A_569, %sign3A_576 : i32
      %rem3A_578 = arith.remsi %add3A_286, %jit3A_561 : i32
      %ne3A_579 = arith.constant 0 : i32
      %ne3A_580 = arith.cmpi ne, %rem3A_578, %ne3A_579 : i32
      %and3A_581 = arith.andi %ne3A_577, %ne3A_580 : i1
      %sub3A_582 = arith.constant 1 : i32
      %sub3A_583 = arith.subi %div3A_562, %sub3A_582 : i32
      %select_n3A_584 = arith.select %and3A_581, %sub3A_583, %div3A_562 : i32
      %jit3A_585 = arith.constant 16 : i32
      %eq3A_586 = arith.constant 0 : i32
      %eq3A_587 = arith.cmpi eq, %jit3A_585, %eq3A_586 : i32
      %jit3A_588 = arith.constant 1 : i32
      %select_n3A_589 = arith.select %eq3A_587, %jit3A_588, %jit3A_585 : i32
      %rem3A_590 = arith.remsi %add3A_286, %select_n3A_589 : i32
      %ne3A_591 = arith.constant 0 : i32
      %ne3A_592 = arith.cmpi ne, %rem3A_590, %ne3A_591 : i32
      %lt3A_593 = arith.constant 0 : i32
      %lt3A_594 = arith.cmpi slt, %rem3A_590, %lt3A_593 : i32
      %lt3A_595 = arith.constant 0 : i32
      %lt3A_596 = arith.cmpi slt, %select_n3A_589, %lt3A_595 : i32
      %ne3A_597 = arith.xori %lt3A_594, %lt3A_596 : i1
      %and3A_598 = arith.andi %ne3A_597, %ne3A_592 : i1
      %add3A_599 = arith.addi %rem3A_590, %select_n3A_589 : i32
      %select_n3A_600 = arith.select %and3A_598, %add3A_599, %rem3A_590 : i32
      %mul3A_601 = arith.constant 4 : i32
      %mul3A_602 = arith.muli %select_n3A_600, %mul3A_601 : i32
      %dma_start3A_603 = arith.constant 3 : i32
      %dma_start3A_604 = arith.constant 0 : i32
      %dma_start3A_605 = arith.constant 0 : i32
      %dma_start3A_606 = arith.constant 0 : i32
      %dma_start3A_607 = arith.constant 0 : i32
      %dma_start3A_608 = tpu.memref_slice %arg6[%dma_start3A_603, %dma_start3A_604, %dma_start3A_605, %dma_start3A_606, %dma_start3A_607] : memref<4x4x1x56x56xf32, #tpu.memory_space<vmem>> -> memref<1x4x1x56x56xf32, #tpu.memory_space<vmem>>
      %dma_start3A_609 = tpu.memref_squeeze %dma_start3A_608 : memref<1x4x1x56x56xf32, #tpu.memory_space<vmem>> -> memref<4x1x56x56xf32, #tpu.memory_space<vmem>>
      %dma_start3A_610 = arith.constant 0 : i32
      %dma_start3A_611 = arith.constant 0 : i32
      %dma_start3A_612 = tpu.memref_slice %arg4[%mul3A_602, %select_n3A_584, %dma_start3A_610, %dma_start3A_611] : memref<64x192x56x56xf32, #tpu.memory_space<hbm>> -> memref<4x1x56x56xf32, #tpu.memory_space<hbm>>
      %dma_start3A_613 = arith.constant 0 : i32
      %dma_start3A_614 = arith.constant 0 : i32
      %dma_start3A_615 = tpu.memref_slice %arg4[%mul3A_602, %select_n3A_584, %dma_start3A_613, %dma_start3A_614] : memref<64x192x56x56xf32, #tpu.memory_space<hbm>> -> memref<4x1x56x56xf32, #tpu.memory_space<hbm>>
      %dma_start3A_616 = arith.constant 0 : i32
      %dma_start3A_617 = arith.constant 0 : i32
      %dma_start3A_618 = arith.constant 0 : i32
      %dma_start3A_619 = arith.constant 0 : i32
      %dma_start3A_620 = tpu.memref_slice %arg6[%dma_start3A_603, %dma_start3A_616, %dma_start3A_617, %dma_start3A_618, %dma_start3A_619] : memref<4x4x1x56x56xf32, #tpu.memory_space<vmem>> -> memref<1x4x1x56x56xf32, #tpu.memory_space<vmem>>
      %dma_start3A_621 = tpu.memref_squeeze %dma_start3A_620 : memref<1x4x1x56x56xf32, #tpu.memory_space<vmem>> -> memref<4x1x56x56xf32, #tpu.memory_space<vmem>>
      tpu.enqueue_dma source(%dma_start3A_621 : memref<4x1x56x56xf32, #tpu.memory_space<vmem>>) target(%dma_start3A_615 : memref<4x1x56x56xf32, #tpu.memory_space<hbm>>) target_semaphore(%arg14 : memref<!tpu.dma_semaphore, #tpu.memory_space<semaphore_mem>>)
      %jit3A_622 = arith.constant 16 : i32
      %div3A_623 = arith.divsi %add3A_271, %jit3A_622 : i32
      %sign3A_624 = arith.constant 0 : i32
      %sign3A_625 = arith.cmpi sgt, %add3A_271, %sign3A_624 : i32
      %sign3A_626 = arith.extui %sign3A_625 : i1 to i32
      %sign3A_627 = arith.constant 0 : i32
      %sign3A_628 = arith.cmpi slt, %add3A_271, %sign3A_627 : i32
      %sign3A_629 = arith.extui %sign3A_628 : i1 to i32
      %sign3A_630 = arith.subi %sign3A_626, %sign3A_629 : i32
      %sign3A_631 = arith.constant 0 : i32
      %sign3A_632 = arith.cmpi sgt, %jit3A_622, %sign3A_631 : i32
      %sign3A_633 = arith.extui %sign3A_632 : i1 to i32
      %sign3A_634 = arith.constant 0 : i32
      %sign3A_635 = arith.cmpi slt, %jit3A_622, %sign3A_634 : i32
      %sign3A_636 = arith.extui %sign3A_635 : i1 to i32
      %sign3A_637 = arith.subi %sign3A_633, %sign3A_636 : i32
      %ne3A_638 = arith.cmpi ne, %sign3A_630, %sign3A_637 : i32
      %rem3A_639 = arith.remsi %add3A_271, %jit3A_622 : i32
      %ne3A_640 = arith.constant 0 : i32
      %ne3A_641 = arith.cmpi ne, %rem3A_639, %ne3A_640 : i32
      %and3A_642 = arith.andi %ne3A_638, %ne3A_641 : i1
      %sub3A_643 = arith.constant 1 : i32
      %sub3A_644 = arith.subi %div3A_623, %sub3A_643 : i32
      %select_n3A_645 = arith.select %and3A_642, %sub3A_644, %div3A_623 : i32
      %jit3A_646 = arith.constant 16 : i32
      %eq3A_647 = arith.constant 0 : i32
      %eq3A_648 = arith.cmpi eq, %jit3A_646, %eq3A_647 : i32
      %jit3A_649 = arith.constant 1 : i32
      %select_n3A_650 = arith.select %eq3A_648, %jit3A_649, %jit3A_646 : i32
      %rem3A_651 = arith.remsi %add3A_271, %select_n3A_650 : i32
      %ne3A_652 = arith.constant 0 : i32
      %ne3A_653 = arith.cmpi ne, %rem3A_651, %ne3A_652 : i32
      %lt3A_654 = arith.constant 0 : i32
      %lt3A_655 = arith.cmpi slt, %rem3A_651, %lt3A_654 : i32
      %lt3A_656 = arith.constant 0 : i32
      %lt3A_657 = arith.cmpi slt, %select_n3A_650, %lt3A_656 : i32
      %ne3A_658 = arith.xori %lt3A_655, %lt3A_657 : i1
      %and3A_659 = arith.andi %ne3A_658, %ne3A_653 : i1
      %add3A_660 = arith.addi %rem3A_651, %select_n3A_650 : i32
      %select_n3A_661 = arith.select %and3A_659, %add3A_660, %rem3A_651 : i32
      %mul3A_662 = arith.constant 4 : i32
      %mul3A_663 = arith.muli %select_n3A_661, %mul3A_662 : i32
      %dma_wait3A_664 = arith.constant 0 : i32
      %dma_wait3A_665 = arith.constant 0 : i32
      %dma_wait3A_666 = arith.constant 0 : i32
      %dma_wait3A_667 = arith.constant 0 : i32
      %dma_wait3A_668 = arith.constant 0 : i32
      %dma_wait3A_669 = tpu.memref_slice %arg6[%dma_wait3A_664, %dma_wait3A_665, %dma_wait3A_666, %dma_wait3A_667, %dma_wait3A_668] : memref<4x4x1x56x56xf32, #tpu.memory_space<vmem>> -> memref<1x4x1x56x56xf32, #tpu.memory_space<vmem>>
      %dma_wait3A_670 = tpu.memref_squeeze %dma_wait3A_669 : memref<1x4x1x56x56xf32, #tpu.memory_space<vmem>> -> memref<4x1x56x56xf32, #tpu.memory_space<vmem>>
      %dma_wait3A_671 = arith.constant 0 : i32
      %dma_wait3A_672 = arith.constant 0 : i32
      %dma_wait3A_673 = tpu.memref_slice %arg4[%mul3A_663, %select_n3A_645, %dma_wait3A_671, %dma_wait3A_672] : memref<64x192x56x56xf32, #tpu.memory_space<hbm>> -> memref<4x1x56x56xf32, #tpu.memory_space<hbm>>
      %dma_wait3A_674 = arith.constant 0 : i32
      %dma_wait3A_675 = arith.constant 0 : i32
      %dma_wait3A_676 = tpu.memref_slice %arg4[%mul3A_663, %select_n3A_645, %dma_wait3A_674, %dma_wait3A_675] : memref<64x192x56x56xf32, #tpu.memory_space<hbm>> -> memref<4x1x56x56xf32, #tpu.memory_space<hbm>>
      %dma_wait3A_677 = arith.constant 0 : i32
      %dma_wait3A_678 = arith.constant 0 : i32
      %dma_wait3A_679 = arith.constant 0 : i32
      %dma_wait3A_680 = arith.constant 0 : i32
      %dma_wait3A_681 = tpu.memref_slice %arg6[%dma_wait3A_664, %dma_wait3A_677, %dma_wait3A_678, %dma_wait3A_679, %dma_wait3A_680] : memref<4x4x1x56x56xf32, #tpu.memory_space<vmem>> -> memref<1x4x1x56x56xf32, #tpu.memory_space<vmem>>
      %dma_wait3A_682 = tpu.memref_squeeze %dma_wait3A_681 : memref<1x4x1x56x56xf32, #tpu.memory_space<vmem>> -> memref<4x1x56x56xf32, #tpu.memory_space<vmem>>
      tpu.wait_dma2 semaphore(%arg11 : memref<!tpu.dma_semaphore, #tpu.memory_space<semaphore_mem>>) src(%dma_wait3A_682 : memref<4x1x56x56xf32, #tpu.memory_space<vmem>>) dst(%dma_wait3A_676 : memref<4x1x56x56xf32, #tpu.memory_space<hbm>>)
      %mul3A_683 = arith.constant 4 : i32
      %mul3A_684 = arith.muli %scan3A_266, %mul3A_683 : i32
      %add3A_685 = arith.constant 0 : i32
      %add3A_686 = arith.addi %mul3A_684, %add3A_685 : i32
      %add3A_687 = arith.constant 4 : i32
      %add3A_688 = arith.addi %add3A_686, %add3A_687 : i32
      %lt3A_689 = arith.constant 96 : i32
      %lt3A_690 = arith.cmpi slt, %add3A_688, %lt3A_689 : i32
      %convert_element_type3A = arith.extui %lt3A_690 : i1 to i32
      %cond3A = arith.constant 0 : i32
      %cond3A_691 = arith.cmpi ne, %convert_element_type3A, %cond3A : i32
      scf.if %cond3A_691 {
        %add3A_908 = arith.constant 4 : i32
        %add3A_909 = arith.addi %add3A_271, %add3A_908 : i32
        %jit3A_910 = arith.constant 16 : i32
        %div3A_911 = arith.divsi %add3A_909, %jit3A_910 : i32
        %sign3A_912 = arith.constant 0 : i32
        %sign3A_913 = arith.cmpi sgt, %add3A_909, %sign3A_912 : i32
        %sign3A_914 = arith.extui %sign3A_913 : i1 to i32
        %sign3A_915 = arith.constant 0 : i32
        %sign3A_916 = arith.cmpi slt, %add3A_909, %sign3A_915 : i32
        %sign3A_917 = arith.extui %sign3A_916 : i1 to i32
        %sign3A_918 = arith.subi %sign3A_914, %sign3A_917 : i32
        %sign3A_919 = arith.constant 0 : i32
        %sign3A_920 = arith.cmpi sgt, %jit3A_910, %sign3A_919 : i32
        %sign3A_921 = arith.extui %sign3A_920 : i1 to i32
        %sign3A_922 = arith.constant 0 : i32
        %sign3A_923 = arith.cmpi slt, %jit3A_910, %sign3A_922 : i32
        %sign3A_924 = arith.extui %sign3A_923 : i1 to i32
        %sign3A_925 = arith.subi %sign3A_921, %sign3A_924 : i32
        %ne3A_926 = arith.cmpi ne, %sign3A_918, %sign3A_925 : i32
        %rem3A_927 = arith.remsi %add3A_909, %jit3A_910 : i32
        %ne3A_928 = arith.constant 0 : i32
        %ne3A_929 = arith.cmpi ne, %rem3A_927, %ne3A_928 : i32
        %and3A_930 = arith.andi %ne3A_926, %ne3A_929 : i1
        %sub3A_931 = arith.constant 1 : i32
        %sub3A_932 = arith.subi %div3A_911, %sub3A_931 : i32
        %select_n3A_933 = arith.select %and3A_930, %sub3A_932, %div3A_911 : i32
        %jit3A_934 = arith.constant 16 : i32
        %eq3A_935 = arith.constant 0 : i32
        %eq3A_936 = arith.cmpi eq, %jit3A_934, %eq3A_935 : i32
        %jit3A_937 = arith.constant 1 : i32
        %select_n3A_938 = arith.select %eq3A_936, %jit3A_937, %jit3A_934 : i32
        %rem3A_939 = arith.remsi %add3A_909, %select_n3A_938 : i32
        %ne3A_940 = arith.constant 0 : i32
        %ne3A_941 = arith.cmpi ne, %rem3A_939, %ne3A_940 : i32
        %lt3A_942 = arith.constant 0 : i32
        %lt3A_943 = arith.cmpi slt, %rem3A_939, %lt3A_942 : i32
        %lt3A_944 = arith.constant 0 : i32
        %lt3A_945 = arith.cmpi slt, %select_n3A_938, %lt3A_944 : i32
        %ne3A_946 = arith.xori %lt3A_943, %lt3A_945 : i1
        %and3A_947 = arith.andi %ne3A_946, %ne3A_941 : i1
        %add3A_948 = arith.addi %rem3A_939, %select_n3A_938 : i32
        %select_n3A_949 = arith.select %and3A_947, %add3A_948, %rem3A_939 : i32
        %mul3A_950 = arith.constant 4 : i32
        %mul3A_951 = arith.muli %select_n3A_949, %mul3A_950 : i32
        %get3A_952 = arith.index_cast %select_n3A_933 : i32 to index
        %get3A_953 = tpu.vector_load %arg5[%get3A_952] {strides = array<i32>} : memref<208xi32, #tpu.memory_space<vmem>>, vector<16xi32>,
        %get3A_954 = vector.shape_cast %get3A_953 : vector<16xi32> to vector<16xi32>
        %slice3A_955 = vector.extract_strided_slice %get3A_954 {offsets = [0], sizes = [1], strides = [1]} : vector<16xi32> to vector<1xi32>
        %squeeze3A_956 = vector.extract %slice3A_955[0] : i32 from vector<1xi32>
        %dma_start3A_957 = arith.constant 0 : i32
        %dma_start3A_958 = arith.constant 0 : i32
        %dma_start3A_959 = arith.constant 0 : i32
        %dma_start3A_960 = arith.constant 0 : i32
        %dma_start3A_961 = arith.constant 0 : i32
        %dma_start3A_962 = tpu.memref_slice %arg6[%dma_start3A_957, %dma_start3A_958, %dma_start3A_959, %dma_start3A_960, %dma_start3A_961] : memref<4x4x1x56x56xf32, #tpu.memory_space<vmem>> -> memref<1x4x1x56x56xf32, #tpu.memory_space<vmem>>
        %dma_start3A_963 = tpu.memref_squeeze %dma_start3A_962 : memref<1x4x1x56x56xf32, #tpu.memory_space<vmem>> -> memref<4x1x56x56xf32, #tpu.memory_space<vmem>>
        %dma_start3A_964 = arith.constant 0 : i32
        %dma_start3A_965 = arith.constant 0 : i32
        %dma_start3A_966 = tpu.memref_slice %arg2[%mul3A_951, %squeeze3A_956, %dma_start3A_964, %dma_start3A_965] : memref<64x192x56x56xf32, #tpu.memory_space<hbm>> -> memref<4x1x56x56xf32, #tpu.memory_space<hbm>>
        %dma_start3A_967 = arith.constant 0 : i32
        %dma_start3A_968 = arith.constant 0 : i32
        %dma_start3A_969 = arith.constant 0 : i32
        %dma_start3A_970 = arith.constant 0 : i32
        %dma_start3A_971 = tpu.memref_slice %arg6[%dma_start3A_957, %dma_start3A_967, %dma_start3A_968, %dma_start3A_969, %dma_start3A_970] : memref<4x4x1x56x56xf32, #tpu.memory_space<vmem>> -> memref<1x4x1x56x56xf32, #tpu.memory_space<vmem>>
        %dma_start3A_972 = tpu.memref_squeeze %dma_start3A_971 : memref<1x4x1x56x56xf32, #tpu.memory_space<vmem>> -> memref<4x1x56x56xf32, #tpu.memory_space<vmem>>
        %dma_start3A_973 = arith.constant 0 : i32
        %dma_start3A_974 = arith.constant 0 : i32
        %dma_start3A_975 = tpu.memref_slice %arg2[%mul3A_951, %squeeze3A_956, %dma_start3A_973, %dma_start3A_974] : memref<64x192x56x56xf32, #tpu.memory_space<hbm>> -> memref<4x1x56x56xf32, #tpu.memory_space<hbm>>
        tpu.enqueue_dma source(%dma_start3A_975 : memref<4x1x56x56xf32, #tpu.memory_space<hbm>>) target(%dma_start3A_972 : memref<4x1x56x56xf32, #tpu.memory_space<vmem>>) target_semaphore(%arg7 : memref<!tpu.dma_semaphore, #tpu.memory_space<semaphore_mem>>)
      } else {
      }
      %jit3A_692 = arith.constant 16 : i32
      %div3A_693 = arith.divsi %add3A_276, %jit3A_692 : i32
      %sign3A_694 = arith.constant 0 : i32
      %sign3A_695 = arith.cmpi sgt, %add3A_276, %sign3A_694 : i32
      %sign3A_696 = arith.extui %sign3A_695 : i1 to i32
      %sign3A_697 = arith.constant 0 : i32
      %sign3A_698 = arith.cmpi slt, %add3A_276, %sign3A_697 : i32
      %sign3A_699 = arith.extui %sign3A_698 : i1 to i32
      %sign3A_700 = arith.subi %sign3A_696, %sign3A_699 : i32
      %sign3A_701 = arith.constant 0 : i32
      %sign3A_702 = arith.cmpi sgt, %jit3A_692, %sign3A_701 : i32
      %sign3A_703 = arith.extui %sign3A_702 : i1 to i32
      %sign3A_704 = arith.constant 0 : i32
      %sign3A_705 = arith.cmpi slt, %jit3A_692, %sign3A_704 : i32
      %sign3A_706 = arith.extui %sign3A_705 : i1 to i32
      %sign3A_707 = arith.subi %sign3A_703, %sign3A_706 : i32
      %ne3A_708 = arith.cmpi ne, %sign3A_700, %sign3A_707 : i32
      %rem3A_709 = arith.remsi %add3A_276, %jit3A_692 : i32
      %ne3A_710 = arith.constant 0 : i32
      %ne3A_711 = arith.cmpi ne, %rem3A_709, %ne3A_710 : i32
      %and3A_712 = arith.andi %ne3A_708, %ne3A_711 : i1
      %sub3A_713 = arith.constant 1 : i32
      %sub3A_714 = arith.subi %div3A_693, %sub3A_713 : i32
      %select_n3A_715 = arith.select %and3A_712, %sub3A_714, %div3A_693 : i32
      %jit3A_716 = arith.constant 16 : i32
      %eq3A_717 = arith.constant 0 : i32
      %eq3A_718 = arith.cmpi eq, %jit3A_716, %eq3A_717 : i32
      %jit3A_719 = arith.constant 1 : i32
      %select_n3A_720 = arith.select %eq3A_718, %jit3A_719, %jit3A_716 : i32
      %rem3A_721 = arith.remsi %add3A_276, %select_n3A_720 : i32
      %ne3A_722 = arith.constant 0 : i32
      %ne3A_723 = arith.cmpi ne, %rem3A_721, %ne3A_722 : i32
      %lt3A_724 = arith.constant 0 : i32
      %lt3A_725 = arith.cmpi slt, %rem3A_721, %lt3A_724 : i32
      %lt3A_726 = arith.constant 0 : i32
      %lt3A_727 = arith.cmpi slt, %select_n3A_720, %lt3A_726 : i32
      %ne3A_728 = arith.xori %lt3A_725, %lt3A_727 : i1
      %and3A_729 = arith.andi %ne3A_728, %ne3A_723 : i1
      %add3A_730 = arith.addi %rem3A_721, %select_n3A_720 : i32
      %select_n3A_731 = arith.select %and3A_729, %add3A_730, %rem3A_721 : i32
      %mul3A_732 = arith.constant 4 : i32
      %mul3A_733 = arith.muli %select_n3A_731, %mul3A_732 : i32
      %dma_wait3A_734 = arith.constant 1 : i32
      %dma_wait3A_735 = arith.constant 0 : i32
      %dma_wait3A_736 = arith.constant 0 : i32
      %dma_wait3A_737 = arith.constant 0 : i32
      %dma_wait3A_738 = arith.constant 0 : i32
      %dma_wait3A_739 = tpu.memref_slice %arg6[%dma_wait3A_734, %dma_wait3A_735, %dma_wait3A_736, %dma_wait3A_737, %dma_wait3A_738] : memref<4x4x1x56x56xf32, #tpu.memory_space<vmem>> -> memref<1x4x1x56x56xf32, #tpu.memory_space<vmem>>
      %dma_wait3A_740 = tpu.memref_squeeze %dma_wait3A_739 : memref<1x4x1x56x56xf32, #tpu.memory_space<vmem>> -> memref<4x1x56x56xf32, #tpu.memory_space<vmem>>
      %dma_wait3A_741 = arith.constant 0 : i32
      %dma_wait3A_742 = arith.constant 0 : i32
      %dma_wait3A_743 = tpu.memref_slice %arg4[%mul3A_733, %select_n3A_715, %dma_wait3A_741, %dma_wait3A_742] : memref<64x192x56x56xf32, #tpu.memory_space<hbm>> -> memref<4x1x56x56xf32, #tpu.memory_space<hbm>>
      %dma_wait3A_744 = arith.constant 0 : i32
      %dma_wait3A_745 = arith.constant 0 : i32
      %dma_wait3A_746 = tpu.memref_slice %arg4[%mul3A_733, %select_n3A_715, %dma_wait3A_744, %dma_wait3A_745] : memref<64x192x56x56xf32, #tpu.memory_space<hbm>> -> memref<4x1x56x56xf32, #tpu.memory_space<hbm>>
      %dma_wait3A_747 = arith.constant 0 : i32
      %dma_wait3A_748 = arith.constant 0 : i32
      %dma_wait3A_749 = arith.constant 0 : i32
      %dma_wait3A_750 = arith.constant 0 : i32
      %dma_wait3A_751 = tpu.memref_slice %arg6[%dma_wait3A_734, %dma_wait3A_747, %dma_wait3A_748, %dma_wait3A_749, %dma_wait3A_750] : memref<4x4x1x56x56xf32, #tpu.memory_space<vmem>> -> memref<1x4x1x56x56xf32, #tpu.memory_space<vmem>>
      %dma_wait3A_752 = tpu.memref_squeeze %dma_wait3A_751 : memref<1x4x1x56x56xf32, #tpu.memory_space<vmem>> -> memref<4x1x56x56xf32, #tpu.memory_space<vmem>>
      tpu.wait_dma2 semaphore(%arg12 : memref<!tpu.dma_semaphore, #tpu.memory_space<semaphore_mem>>) src(%dma_wait3A_752 : memref<4x1x56x56xf32, #tpu.memory_space<vmem>>) dst(%dma_wait3A_746 : memref<4x1x56x56xf32, #tpu.memory_space<hbm>>)
      %mul3A_753 = arith.constant 4 : i32
      %mul3A_754 = arith.muli %scan3A_266, %mul3A_753 : i32
      %add3A_755 = arith.constant 1 : i32
      %add3A_756 = arith.addi %mul3A_754, %add3A_755 : i32
      %add3A_757 = arith.constant 4 : i32
      %add3A_758 = arith.addi %add3A_756, %add3A_757 : i32
      %lt3A_759 = arith.constant 96 : i32
      %lt3A_760 = arith.cmpi slt, %add3A_758, %lt3A_759 : i32
      %convert_element_type3A_761 = arith.extui %lt3A_760 : i1 to i32
      %cond3A_762 = arith.constant 0 : i32
      %cond3A_763 = arith.cmpi ne, %convert_element_type3A_761, %cond3A_762 : i32
      scf.if %cond3A_763 {
        %add3A_908 = arith.constant 4 : i32
        %add3A_909 = arith.addi %add3A_276, %add3A_908 : i32
        %jit3A_910 = arith.constant 16 : i32
        %div3A_911 = arith.divsi %add3A_909, %jit3A_910 : i32
        %sign3A_912 = arith.constant 0 : i32
        %sign3A_913 = arith.cmpi sgt, %add3A_909, %sign3A_912 : i32
        %sign3A_914 = arith.extui %sign3A_913 : i1 to i32
        %sign3A_915 = arith.constant 0 : i32
        %sign3A_916 = arith.cmpi slt, %add3A_909, %sign3A_915 : i32
        %sign3A_917 = arith.extui %sign3A_916 : i1 to i32
        %sign3A_918 = arith.subi %sign3A_914, %sign3A_917 : i32
        %sign3A_919 = arith.constant 0 : i32
        %sign3A_920 = arith.cmpi sgt, %jit3A_910, %sign3A_919 : i32
        %sign3A_921 = arith.extui %sign3A_920 : i1 to i32
        %sign3A_922 = arith.constant 0 : i32
        %sign3A_923 = arith.cmpi slt, %jit3A_910, %sign3A_922 : i32
        %sign3A_924 = arith.extui %sign3A_923 : i1 to i32
        %sign3A_925 = arith.subi %sign3A_921, %sign3A_924 : i32
        %ne3A_926 = arith.cmpi ne, %sign3A_918, %sign3A_925 : i32
        %rem3A_927 = arith.remsi %add3A_909, %jit3A_910 : i32
        %ne3A_928 = arith.constant 0 : i32
        %ne3A_929 = arith.cmpi ne, %rem3A_927, %ne3A_928 : i32
        %and3A_930 = arith.andi %ne3A_926, %ne3A_929 : i1
        %sub3A_931 = arith.constant 1 : i32
        %sub3A_932 = arith.subi %div3A_911, %sub3A_931 : i32
        %select_n3A_933 = arith.select %and3A_930, %sub3A_932, %div3A_911 : i32
        %jit3A_934 = arith.constant 16 : i32
        %eq3A_935 = arith.constant 0 : i32
        %eq3A_936 = arith.cmpi eq, %jit3A_934, %eq3A_935 : i32
        %jit3A_937 = arith.constant 1 : i32
        %select_n3A_938 = arith.select %eq3A_936, %jit3A_937, %jit3A_934 : i32
        %rem3A_939 = arith.remsi %add3A_909, %select_n3A_938 : i32
        %ne3A_940 = arith.constant 0 : i32
        %ne3A_941 = arith.cmpi ne, %rem3A_939, %ne3A_940 : i32
        %lt3A_942 = arith.constant 0 : i32
        %lt3A_943 = arith.cmpi slt, %rem3A_939, %lt3A_942 : i32
        %lt3A_944 = arith.constant 0 : i32
        %lt3A_945 = arith.cmpi slt, %select_n3A_938, %lt3A_944 : i32
        %ne3A_946 = arith.xori %lt3A_943, %lt3A_945 : i1
        %and3A_947 = arith.andi %ne3A_946, %ne3A_941 : i1
        %add3A_948 = arith.addi %rem3A_939, %select_n3A_938 : i32
        %select_n3A_949 = arith.select %and3A_947, %add3A_948, %rem3A_939 : i32
        %mul3A_950 = arith.constant 4 : i32
        %mul3A_951 = arith.muli %select_n3A_949, %mul3A_950 : i32
        %get3A_952 = arith.index_cast %select_n3A_933 : i32 to index
        %get3A_953 = tpu.vector_load %arg5[%get3A_952] {strides = array<i32>} : memref<208xi32, #tpu.memory_space<vmem>>, vector<16xi32>,
        %get3A_954 = vector.shape_cast %get3A_953 : vector<16xi32> to vector<16xi32>
        %slice3A_955 = vector.extract_strided_slice %get3A_954 {offsets = [0], sizes = [1], strides = [1]} : vector<16xi32> to vector<1xi32>
        %squeeze3A_956 = vector.extract %slice3A_955[0] : i32 from vector<1xi32>
        %dma_start3A_957 = arith.constant 1 : i32
        %dma_start3A_958 = arith.constant 0 : i32
        %dma_start3A_959 = arith.constant 0 : i32
        %dma_start3A_960 = arith.constant 0 : i32
        %dma_start3A_961 = arith.constant 0 : i32
        %dma_start3A_962 = tpu.memref_slice %arg6[%dma_start3A_957, %dma_start3A_958, %dma_start3A_959, %dma_start3A_960, %dma_start3A_961] : memref<4x4x1x56x56xf32, #tpu.memory_space<vmem>> -> memref<1x4x1x56x56xf32, #tpu.memory_space<vmem>>
        %dma_start3A_963 = tpu.memref_squeeze %dma_start3A_962 : memref<1x4x1x56x56xf32, #tpu.memory_space<vmem>> -> memref<4x1x56x56xf32, #tpu.memory_space<vmem>>
        %dma_start3A_964 = arith.constant 0 : i32
        %dma_start3A_965 = arith.constant 0 : i32
        %dma_start3A_966 = tpu.memref_slice %arg2[%mul3A_951, %squeeze3A_956, %dma_start3A_964, %dma_start3A_965] : memref<64x192x56x56xf32, #tpu.memory_space<hbm>> -> memref<4x1x56x56xf32, #tpu.memory_space<hbm>>
        %dma_start3A_967 = arith.constant 0 : i32
        %dma_start3A_968 = arith.constant 0 : i32
        %dma_start3A_969 = arith.constant 0 : i32
        %dma_start3A_970 = arith.constant 0 : i32
        %dma_start3A_971 = tpu.memref_slice %arg6[%dma_start3A_957, %dma_start3A_967, %dma_start3A_968, %dma_start3A_969, %dma_start3A_970] : memref<4x4x1x56x56xf32, #tpu.memory_space<vmem>> -> memref<1x4x1x56x56xf32, #tpu.memory_space<vmem>>
        %dma_start3A_972 = tpu.memref_squeeze %dma_start3A_971 : memref<1x4x1x56x56xf32, #tpu.memory_space<vmem>> -> memref<4x1x56x56xf32, #tpu.memory_space<vmem>>
        %dma_start3A_973 = arith.constant 0 : i32
        %dma_start3A_974 = arith.constant 0 : i32
        %dma_start3A_975 = tpu.memref_slice %arg2[%mul3A_951, %squeeze3A_956, %dma_start3A_973, %dma_start3A_974] : memref<64x192x56x56xf32, #tpu.memory_space<hbm>> -> memref<4x1x56x56xf32, #tpu.memory_space<hbm>>
        tpu.enqueue_dma source(%dma_start3A_975 : memref<4x1x56x56xf32, #tpu.memory_space<hbm>>) target(%dma_start3A_972 : memref<4x1x56x56xf32, #tpu.memory_space<vmem>>) target_semaphore(%arg8 : memref<!tpu.dma_semaphore, #tpu.memory_space<semaphore_mem>>)
      } else {
      }
      %jit3A_764 = arith.constant 16 : i32
      %div3A_765 = arith.divsi %add3A_281, %jit3A_764 : i32
      %sign3A_766 = arith.constant 0 : i32
      %sign3A_767 = arith.cmpi sgt, %add3A_281, %sign3A_766 : i32
      %sign3A_768 = arith.extui %sign3A_767 : i1 to i32
      %sign3A_769 = arith.constant 0 : i32
      %sign3A_770 = arith.cmpi slt, %add3A_281, %sign3A_769 : i32
      %sign3A_771 = arith.extui %sign3A_770 : i1 to i32
      %sign3A_772 = arith.subi %sign3A_768, %sign3A_771 : i32
      %sign3A_773 = arith.constant 0 : i32
      %sign3A_774 = arith.cmpi sgt, %jit3A_764, %sign3A_773 : i32
      %sign3A_775 = arith.extui %sign3A_774 : i1 to i32
      %sign3A_776 = arith.constant 0 : i32
      %sign3A_777 = arith.cmpi slt, %jit3A_764, %sign3A_776 : i32
      %sign3A_778 = arith.extui %sign3A_777 : i1 to i32
      %sign3A_779 = arith.subi %sign3A_775, %sign3A_778 : i32
      %ne3A_780 = arith.cmpi ne, %sign3A_772, %sign3A_779 : i32
      %rem3A_781 = arith.remsi %add3A_281, %jit3A_764 : i32
      %ne3A_782 = arith.constant 0 : i32
      %ne3A_783 = arith.cmpi ne, %rem3A_781, %ne3A_782 : i32
      %and3A_784 = arith.andi %ne3A_780, %ne3A_783 : i1
      %sub3A_785 = arith.constant 1 : i32
      %sub3A_786 = arith.subi %div3A_765, %sub3A_785 : i32
      %select_n3A_787 = arith.select %and3A_784, %sub3A_786, %div3A_765 : i32
      %jit3A_788 = arith.constant 16 : i32
      %eq3A_789 = arith.constant 0 : i32
      %eq3A_790 = arith.cmpi eq, %jit3A_788, %eq3A_789 : i32
      %jit3A_791 = arith.constant 1 : i32
      %select_n3A_792 = arith.select %eq3A_790, %jit3A_791, %jit3A_788 : i32
      %rem3A_793 = arith.remsi %add3A_281, %select_n3A_792 : i32
      %ne3A_794 = arith.constant 0 : i32
      %ne3A_795 = arith.cmpi ne, %rem3A_793, %ne3A_794 : i32
      %lt3A_796 = arith.constant 0 : i32
      %lt3A_797 = arith.cmpi slt, %rem3A_793, %lt3A_796 : i32
      %lt3A_798 = arith.constant 0 : i32
      %lt3A_799 = arith.cmpi slt, %select_n3A_792, %lt3A_798 : i32
      %ne3A_800 = arith.xori %lt3A_797, %lt3A_799 : i1
      %and3A_801 = arith.andi %ne3A_800, %ne3A_795 : i1
      %add3A_802 = arith.addi %rem3A_793, %select_n3A_792 : i32
      %select_n3A_803 = arith.select %and3A_801, %add3A_802, %rem3A_793 : i32
      %mul3A_804 = arith.constant 4 : i32
      %mul3A_805 = arith.muli %select_n3A_803, %mul3A_804 : i32
      %dma_wait3A_806 = arith.constant 2 : i32
      %dma_wait3A_807 = arith.constant 0 : i32
      %dma_wait3A_808 = arith.constant 0 : i32
      %dma_wait3A_809 = arith.constant 0 : i32
      %dma_wait3A_810 = arith.constant 0 : i32
      %dma_wait3A_811 = tpu.memref_slice %arg6[%dma_wait3A_806, %dma_wait3A_807, %dma_wait3A_808, %dma_wait3A_809, %dma_wait3A_810] : memref<4x4x1x56x56xf32, #tpu.memory_space<vmem>> -> memref<1x4x1x56x56xf32, #tpu.memory_space<vmem>>
      %dma_wait3A_812 = tpu.memref_squeeze %dma_wait3A_811 : memref<1x4x1x56x56xf32, #tpu.memory_space<vmem>> -> memref<4x1x56x56xf32, #tpu.memory_space<vmem>>
      %dma_wait3A_813 = arith.constant 0 : i32
      %dma_wait3A_814 = arith.constant 0 : i32
      %dma_wait3A_815 = tpu.memref_slice %arg4[%mul3A_805, %select_n3A_787, %dma_wait3A_813, %dma_wait3A_814] : memref<64x192x56x56xf32, #tpu.memory_space<hbm>> -> memref<4x1x56x56xf32, #tpu.memory_space<hbm>>
      %dma_wait3A_816 = arith.constant 0 : i32
      %dma_wait3A_817 = arith.constant 0 : i32
      %dma_wait3A_818 = tpu.memref_slice %arg4[%mul3A_805, %select_n3A_787, %dma_wait3A_816, %dma_wait3A_817] : memref<64x192x56x56xf32, #tpu.memory_space<hbm>> -> memref<4x1x56x56xf32, #tpu.memory_space<hbm>>
      %dma_wait3A_819 = arith.constant 0 : i32
      %dma_wait3A_820 = arith.constant 0 : i32
      %dma_wait3A_821 = arith.constant 0 : i32
      %dma_wait3A_822 = arith.constant 0 : i32
      %dma_wait3A_823 = tpu.memref_slice %arg6[%dma_wait3A_806, %dma_wait3A_819, %dma_wait3A_820, %dma_wait3A_821, %dma_wait3A_822] : memref<4x4x1x56x56xf32, #tpu.memory_space<vmem>> -> memref<1x4x1x56x56xf32, #tpu.memory_space<vmem>>
      %dma_wait3A_824 = tpu.memref_squeeze %dma_wait3A_823 : memref<1x4x1x56x56xf32, #tpu.memory_space<vmem>> -> memref<4x1x56x56xf32, #tpu.memory_space<vmem>>
      tpu.wait_dma2 semaphore(%arg13 : memref<!tpu.dma_semaphore, #tpu.memory_space<semaphore_mem>>) src(%dma_wait3A_824 : memref<4x1x56x56xf32, #tpu.memory_space<vmem>>) dst(%dma_wait3A_818 : memref<4x1x56x56xf32, #tpu.memory_space<hbm>>)
      %mul3A_825 = arith.constant 4 : i32
      %mul3A_826 = arith.muli %scan3A_266, %mul3A_825 : i32
      %add3A_827 = arith.constant 2 : i32
      %add3A_828 = arith.addi %mul3A_826, %add3A_827 : i32
      %add3A_829 = arith.constant 4 : i32
      %add3A_830 = arith.addi %add3A_828, %add3A_829 : i32
      %lt3A_831 = arith.constant 96 : i32
      %lt3A_832 = arith.cmpi slt, %add3A_830, %lt3A_831 : i32
      %convert_element_type3A_833 = arith.extui %lt3A_832 : i1 to i32
      %cond3A_834 = arith.constant 0 : i32
      %cond3A_835 = arith.cmpi ne, %convert_element_type3A_833, %cond3A_834 : i32
      scf.if %cond3A_835 {
        %add3A_908 = arith.constant 4 : i32
        %add3A_909 = arith.addi %add3A_281, %add3A_908 : i32
        %jit3A_910 = arith.constant 16 : i32
        %div3A_911 = arith.divsi %add3A_909, %jit3A_910 : i32
        %sign3A_912 = arith.constant 0 : i32
        %sign3A_913 = arith.cmpi sgt, %add3A_909, %sign3A_912 : i32
        %sign3A_914 = arith.extui %sign3A_913 : i1 to i32
        %sign3A_915 = arith.constant 0 : i32
        %sign3A_916 = arith.cmpi slt, %add3A_909, %sign3A_915 : i32
        %sign3A_917 = arith.extui %sign3A_916 : i1 to i32
        %sign3A_918 = arith.subi %sign3A_914, %sign3A_917 : i32
        %sign3A_919 = arith.constant 0 : i32
        %sign3A_920 = arith.cmpi sgt, %jit3A_910, %sign3A_919 : i32
        %sign3A_921 = arith.extui %sign3A_920 : i1 to i32
        %sign3A_922 = arith.constant 0 : i32
        %sign3A_923 = arith.cmpi slt, %jit3A_910, %sign3A_922 : i32
        %sign3A_924 = arith.extui %sign3A_923 : i1 to i32
        %sign3A_925 = arith.subi %sign3A_921, %sign3A_924 : i32
        %ne3A_926 = arith.cmpi ne, %sign3A_918, %sign3A_925 : i32
        %rem3A_927 = arith.remsi %add3A_909, %jit3A_910 : i32
        %ne3A_928 = arith.constant 0 : i32
        %ne3A_929 = arith.cmpi ne, %rem3A_927, %ne3A_928 : i32
        %and3A_930 = arith.andi %ne3A_926, %ne3A_929 : i1
        %sub3A_931 = arith.constant 1 : i32
        %sub3A_932 = arith.subi %div3A_911, %sub3A_931 : i32
        %select_n3A_933 = arith.select %and3A_930, %sub3A_932, %div3A_911 : i32
        %jit3A_934 = arith.constant 16 : i32
        %eq3A_935 = arith.constant 0 : i32
        %eq3A_936 = arith.cmpi eq, %jit3A_934, %eq3A_935 : i32
        %jit3A_937 = arith.constant 1 : i32
        %select_n3A_938 = arith.select %eq3A_936, %jit3A_937, %jit3A_934 : i32
        %rem3A_939 = arith.remsi %add3A_909, %select_n3A_938 : i32
        %ne3A_940 = arith.constant 0 : i32
        %ne3A_941 = arith.cmpi ne, %rem3A_939, %ne3A_940 : i32
        %lt3A_942 = arith.constant 0 : i32
        %lt3A_943 = arith.cmpi slt, %rem3A_939, %lt3A_942 : i32
        %lt3A_944 = arith.constant 0 : i32
        %lt3A_945 = arith.cmpi slt, %select_n3A_938, %lt3A_944 : i32
        %ne3A_946 = arith.xori %lt3A_943, %lt3A_945 : i1
        %and3A_947 = arith.andi %ne3A_946, %ne3A_941 : i1
        %add3A_948 = arith.addi %rem3A_939, %select_n3A_938 : i32
        %select_n3A_949 = arith.select %and3A_947, %add3A_948, %rem3A_939 : i32
        %mul3A_950 = arith.constant 4 : i32
        %mul3A_951 = arith.muli %select_n3A_949, %mul3A_950 : i32
        %get3A_952 = arith.index_cast %select_n3A_933 : i32 to index
        %get3A_953 = tpu.vector_load %arg5[%get3A_952] {strides = array<i32>} : memref<208xi32, #tpu.memory_space<vmem>>, vector<16xi32>,
        %get3A_954 = vector.shape_cast %get3A_953 : vector<16xi32> to vector<16xi32>
        %slice3A_955 = vector.extract_strided_slice %get3A_954 {offsets = [0], sizes = [1], strides = [1]} : vector<16xi32> to vector<1xi32>
        %squeeze3A_956 = vector.extract %slice3A_955[0] : i32 from vector<1xi32>
        %dma_start3A_957 = arith.constant 2 : i32
        %dma_start3A_958 = arith.constant 0 : i32
        %dma_start3A_959 = arith.constant 0 : i32
        %dma_start3A_960 = arith.constant 0 : i32
        %dma_start3A_961 = arith.constant 0 : i32
        %dma_start3A_962 = tpu.memref_slice %arg6[%dma_start3A_957, %dma_start3A_958, %dma_start3A_959, %dma_start3A_960, %dma_start3A_961] : memref<4x4x1x56x56xf32, #tpu.memory_space<vmem>> -> memref<1x4x1x56x56xf32, #tpu.memory_space<vmem>>
        %dma_start3A_963 = tpu.memref_squeeze %dma_start3A_962 : memref<1x4x1x56x56xf32, #tpu.memory_space<vmem>> -> memref<4x1x56x56xf32, #tpu.memory_space<vmem>>
        %dma_start3A_964 = arith.constant 0 : i32
        %dma_start3A_965 = arith.constant 0 : i32
        %dma_start3A_966 = tpu.memref_slice %arg2[%mul3A_951, %squeeze3A_956, %dma_start3A_964, %dma_start3A_965] : memref<64x192x56x56xf32, #tpu.memory_space<hbm>> -> memref<4x1x56x56xf32, #tpu.memory_space<hbm>>
        %dma_start3A_967 = arith.constant 0 : i32
        %dma_start3A_968 = arith.constant 0 : i32
        %dma_start3A_969 = arith.constant 0 : i32
        %dma_start3A_970 = arith.constant 0 : i32
        %dma_start3A_971 = tpu.memref_slice %arg6[%dma_start3A_957, %dma_start3A_967, %dma_start3A_968, %dma_start3A_969, %dma_start3A_970] : memref<4x4x1x56x56xf32, #tpu.memory_space<vmem>> -> memref<1x4x1x56x56xf32, #tpu.memory_space<vmem>>
        %dma_start3A_972 = tpu.memref_squeeze %dma_start3A_971 : memref<1x4x1x56x56xf32, #tpu.memory_space<vmem>> -> memref<4x1x56x56xf32, #tpu.memory_space<vmem>>
        %dma_start3A_973 = arith.constant 0 : i32
        %dma_start3A_974 = arith.constant 0 : i32
        %dma_start3A_975 = tpu.memref_slice %arg2[%mul3A_951, %squeeze3A_956, %dma_start3A_973, %dma_start3A_974] : memref<64x192x56x56xf32, #tpu.memory_space<hbm>> -> memref<4x1x56x56xf32, #tpu.memory_space<hbm>>
        tpu.enqueue_dma source(%dma_start3A_975 : memref<4x1x56x56xf32, #tpu.memory_space<hbm>>) target(%dma_start3A_972 : memref<4x1x56x56xf32, #tpu.memory_space<vmem>>) target_semaphore(%arg9 : memref<!tpu.dma_semaphore, #tpu.memory_space<semaphore_mem>>)
      } else {
      }
      %jit3A_836 = arith.constant 16 : i32
      %div3A_837 = arith.divsi %add3A_286, %jit3A_836 : i32
      %sign3A_838 = arith.constant 0 : i32
      %sign3A_839 = arith.cmpi sgt, %add3A_286, %sign3A_838 : i32
      %sign3A_840 = arith.extui %sign3A_839 : i1 to i32
      %sign3A_841 = arith.constant 0 : i32
      %sign3A_842 = arith.cmpi slt, %add3A_286, %sign3A_841 : i32
      %sign3A_843 = arith.extui %sign3A_842 : i1 to i32
      %sign3A_844 = arith.subi %sign3A_840, %sign3A_843 : i32
      %sign3A_845 = arith.constant 0 : i32
      %sign3A_846 = arith.cmpi sgt, %jit3A_836, %sign3A_845 : i32
      %sign3A_847 = arith.extui %sign3A_846 : i1 to i32
      %sign3A_848 = arith.constant 0 : i32
      %sign3A_849 = arith.cmpi slt, %jit3A_836, %sign3A_848 : i32
      %sign3A_850 = arith.extui %sign3A_849 : i1 to i32
      %sign3A_851 = arith.subi %sign3A_847, %sign3A_850 : i32
      %ne3A_852 = arith.cmpi ne, %sign3A_844, %sign3A_851 : i32
      %rem3A_853 = arith.remsi %add3A_286, %jit3A_836 : i32
      %ne3A_854 = arith.constant 0 : i32
      %ne3A_855 = arith.cmpi ne, %rem3A_853, %ne3A_854 : i32
      %and3A_856 = arith.andi %ne3A_852, %ne3A_855 : i1
      %sub3A_857 = arith.constant 1 : i32
      %sub3A_858 = arith.subi %div3A_837, %sub3A_857 : i32
      %select_n3A_859 = arith.select %and3A_856, %sub3A_858, %div3A_837 : i32
      %jit3A_860 = arith.constant 16 : i32
      %eq3A_861 = arith.constant 0 : i32
      %eq3A_862 = arith.cmpi eq, %jit3A_860, %eq3A_861 : i32
      %jit3A_863 = arith.constant 1 : i32
      %select_n3A_864 = arith.select %eq3A_862, %jit3A_863, %jit3A_860 : i32
      %rem3A_865 = arith.remsi %add3A_286, %select_n3A_864 : i32
      %ne3A_866 = arith.constant 0 : i32
      %ne3A_867 = arith.cmpi ne, %rem3A_865, %ne3A_866 : i32
      %lt3A_868 = arith.constant 0 : i32
      %lt3A_869 = arith.cmpi slt, %rem3A_865, %lt3A_868 : i32
      %lt3A_870 = arith.constant 0 : i32
      %lt3A_871 = arith.cmpi slt, %select_n3A_864, %lt3A_870 : i32
      %ne3A_872 = arith.xori %lt3A_869, %lt3A_871 : i1
      %and3A_873 = arith.andi %ne3A_872, %ne3A_867 : i1
      %add3A_874 = arith.addi %rem3A_865, %select_n3A_864 : i32
      %select_n3A_875 = arith.select %and3A_873, %add3A_874, %rem3A_865 : i32
      %mul3A_876 = arith.constant 4 : i32
      %mul3A_877 = arith.muli %select_n3A_875, %mul3A_876 : i32
      %dma_wait3A_878 = arith.constant 3 : i32
      %dma_wait3A_879 = arith.constant 0 : i32
      %dma_wait3A_880 = arith.constant 0 : i32
      %dma_wait3A_881 = arith.constant 0 : i32
      %dma_wait3A_882 = arith.constant 0 : i32
      %dma_wait3A_883 = tpu.memref_slice %arg6[%dma_wait3A_878, %dma_wait3A_879, %dma_wait3A_880, %dma_wait3A_881, %dma_wait3A_882] : memref<4x4x1x56x56xf32, #tpu.memory_space<vmem>> -> memref<1x4x1x56x56xf32, #tpu.memory_space<vmem>>
      %dma_wait3A_884 = tpu.memref_squeeze %dma_wait3A_883 : memref<1x4x1x56x56xf32, #tpu.memory_space<vmem>> -> memref<4x1x56x56xf32, #tpu.memory_space<vmem>>
      %dma_wait3A_885 = arith.constant 0 : i32
      %dma_wait3A_886 = arith.constant 0 : i32
      %dma_wait3A_887 = tpu.memref_slice %arg4[%mul3A_877, %select_n3A_859, %dma_wait3A_885, %dma_wait3A_886] : memref<64x192x56x56xf32, #tpu.memory_space<hbm>> -> memref<4x1x56x56xf32, #tpu.memory_space<hbm>>
      %dma_wait3A_888 = arith.constant 0 : i32
      %dma_wait3A_889 = arith.constant 0 : i32
      %dma_wait3A_890 = tpu.memref_slice %arg4[%mul3A_877, %select_n3A_859, %dma_wait3A_888, %dma_wait3A_889] : memref<64x192x56x56xf32, #tpu.memory_space<hbm>> -> memref<4x1x56x56xf32, #tpu.memory_space<hbm>>
      %dma_wait3A_891 = arith.constant 0 : i32
      %dma_wait3A_892 = arith.constant 0 : i32
      %dma_wait3A_893 = arith.constant 0 : i32
      %dma_wait3A_894 = arith.constant 0 : i32
      %dma_wait3A_895 = tpu.memref_slice %arg6[%dma_wait3A_878, %dma_wait3A_891, %dma_wait3A_892, %dma_wait3A_893, %dma_wait3A_894] : memref<4x4x1x56x56xf32, #tpu.memory_space<vmem>> -> memref<1x4x1x56x56xf32, #tpu.memory_space<vmem>>
      %dma_wait3A_896 = tpu.memref_squeeze %dma_wait3A_895 : memref<1x4x1x56x56xf32, #tpu.memory_space<vmem>> -> memref<4x1x56x56xf32, #tpu.memory_space<vmem>>
      tpu.wait_dma2 semaphore(%arg14 : memref<!tpu.dma_semaphore, #tpu.memory_space<semaphore_mem>>) src(%dma_wait3A_896 : memref<4x1x56x56xf32, #tpu.memory_space<vmem>>) dst(%dma_wait3A_890 : memref<4x1x56x56xf32, #tpu.memory_space<hbm>>)
      %mul3A_897 = arith.constant 4 : i32
      %mul3A_898 = arith.muli %scan3A_266, %mul3A_897 : i32
      %add3A_899 = arith.constant 3 : i32
      %add3A_900 = arith.addi %mul3A_898, %add3A_899 : i32
      %add3A_901 = arith.constant 4 : i32
      %add3A_902 = arith.addi %add3A_900, %add3A_901 : i32
      %lt3A_903 = arith.constant 96 : i32
      %lt3A_904 = arith.cmpi slt, %add3A_902, %lt3A_903 : i32
      %convert_element_type3A_905 = arith.extui %lt3A_904 : i1 to i32
      %cond3A_906 = arith.constant 0 : i32
      %cond3A_907 = arith.cmpi ne, %convert_element_type3A_905, %cond3A_906 : i32
      scf.if %cond3A_907 {
        %add3A_908 = arith.constant 4 : i32
        %add3A_909 = arith.addi %add3A_286, %add3A_908 : i32
        %jit3A_910 = arith.constant 16 : i32
        %div3A_911 = arith.divsi %add3A_909, %jit3A_910 : i32
        %sign3A_912 = arith.constant 0 : i32
        %sign3A_913 = arith.cmpi sgt, %add3A_909, %sign3A_912 : i32
        %sign3A_914 = arith.extui %sign3A_913 : i1 to i32
        %sign3A_915 = arith.constant 0 : i32
        %sign3A_916 = arith.cmpi slt, %add3A_909, %sign3A_915 : i32
        %sign3A_917 = arith.extui %sign3A_916 : i1 to i32
        %sign3A_918 = arith.subi %sign3A_914, %sign3A_917 : i32
        %sign3A_919 = arith.constant 0 : i32
        %sign3A_920 = arith.cmpi sgt, %jit3A_910, %sign3A_919 : i32
        %sign3A_921 = arith.extui %sign3A_920 : i1 to i32
        %sign3A_922 = arith.constant 0 : i32
        %sign3A_923 = arith.cmpi slt, %jit3A_910, %sign3A_922 : i32
        %sign3A_924 = arith.extui %sign3A_923 : i1 to i32
        %sign3A_925 = arith.subi %sign3A_921, %sign3A_924 : i32
        %ne3A_926 = arith.cmpi ne, %sign3A_918, %sign3A_925 : i32
        %rem3A_927 = arith.remsi %add3A_909, %jit3A_910 : i32
        %ne3A_928 = arith.constant 0 : i32
        %ne3A_929 = arith.cmpi ne, %rem3A_927, %ne3A_928 : i32
        %and3A_930 = arith.andi %ne3A_926, %ne3A_929 : i1
        %sub3A_931 = arith.constant 1 : i32
        %sub3A_932 = arith.subi %div3A_911, %sub3A_931 : i32
        %select_n3A_933 = arith.select %and3A_930, %sub3A_932, %div3A_911 : i32
        %jit3A_934 = arith.constant 16 : i32
        %eq3A_935 = arith.constant 0 : i32
        %eq3A_936 = arith.cmpi eq, %jit3A_934, %eq3A_935 : i32
        %jit3A_937 = arith.constant 1 : i32
        %select_n3A_938 = arith.select %eq3A_936, %jit3A_937, %jit3A_934 : i32
        %rem3A_939 = arith.remsi %add3A_909, %select_n3A_938 : i32
        %ne3A_940 = arith.constant 0 : i32
        %ne3A_941 = arith.cmpi ne, %rem3A_939, %ne3A_940 : i32
        %lt3A_942 = arith.constant 0 : i32
        %lt3A_943 = arith.cmpi slt, %rem3A_939, %lt3A_942 : i32
        %lt3A_944 = arith.constant 0 : i32
        %lt3A_945 = arith.cmpi slt, %select_n3A_938, %lt3A_944 : i32
        %ne3A_946 = arith.xori %lt3A_943, %lt3A_945 : i1
        %and3A_947 = arith.andi %ne3A_946, %ne3A_941 : i1
        %add3A_948 = arith.addi %rem3A_939, %select_n3A_938 : i32
        %select_n3A_949 = arith.select %and3A_947, %add3A_948, %rem3A_939 : i32
        %mul3A_950 = arith.constant 4 : i32
        %mul3A_951 = arith.muli %select_n3A_949, %mul3A_950 : i32
        %get3A_952 = arith.index_cast %select_n3A_933 : i32 to index
        %get3A_953 = tpu.vector_load %arg5[%get3A_952] {strides = array<i32>} : memref<208xi32, #tpu.memory_space<vmem>>, vector<16xi32>,
        %get3A_954 = vector.shape_cast %get3A_953 : vector<16xi32> to vector<16xi32>
        %slice3A_955 = vector.extract_strided_slice %get3A_954 {offsets = [0], sizes = [1], strides = [1]} : vector<16xi32> to vector<1xi32>
        %squeeze3A_956 = vector.extract %slice3A_955[0] : i32 from vector<1xi32>
        %dma_start3A_957 = arith.constant 3 : i32
        %dma_start3A_958 = arith.constant 0 : i32
        %dma_start3A_959 = arith.constant 0 : i32
        %dma_start3A_960 = arith.constant 0 : i32
        %dma_start3A_961 = arith.constant 0 : i32
        %dma_start3A_962 = tpu.memref_slice %arg6[%dma_start3A_957, %dma_start3A_958, %dma_start3A_959, %dma_start3A_960, %dma_start3A_961] : memref<4x4x1x56x56xf32, #tpu.memory_space<vmem>> -> memref<1x4x1x56x56xf32, #tpu.memory_space<vmem>>
        %dma_start3A_963 = tpu.memref_squeeze %dma_start3A_962 : memref<1x4x1x56x56xf32, #tpu.memory_space<vmem>> -> memref<4x1x56x56xf32, #tpu.memory_space<vmem>>
        %dma_start3A_964 = arith.constant 0 : i32
        %dma_start3A_965 = arith.constant 0 : i32
        %dma_start3A_966 = tpu.memref_slice %arg2[%mul3A_951, %squeeze3A_956, %dma_start3A_964, %dma_start3A_965] : memref<64x192x56x56xf32, #tpu.memory_space<hbm>> -> memref<4x1x56x56xf32, #tpu.memory_space<hbm>>
        %dma_start3A_967 = arith.constant 0 : i32
        %dma_start3A_968 = arith.constant 0 : i32
        %dma_start3A_969 = arith.constant 0 : i32
        %dma_start3A_970 = arith.constant 0 : i32
        %dma_start3A_971 = tpu.memref_slice %arg6[%dma_start3A_957, %dma_start3A_967, %dma_start3A_968, %dma_start3A_969, %dma_start3A_970] : memref<4x4x1x56x56xf32, #tpu.memory_space<vmem>> -> memref<1x4x1x56x56xf32, #tpu.memory_space<vmem>>
        %dma_start3A_972 = tpu.memref_squeeze %dma_start3A_971 : memref<1x4x1x56x56xf32, #tpu.memory_space<vmem>> -> memref<4x1x56x56xf32, #tpu.memory_space<vmem>>
        %dma_start3A_973 = arith.constant 0 : i32
        %dma_start3A_974 = arith.constant 0 : i32
        %dma_start3A_975 = tpu.memref_slice %arg2[%mul3A_951, %squeeze3A_956, %dma_start3A_973, %dma_start3A_974] : memref<64x192x56x56xf32, #tpu.memory_space<hbm>> -> memref<4x1x56x56xf32, #tpu.memory_space<hbm>>
        tpu.enqueue_dma source(%dma_start3A_975 : memref<4x1x56x56xf32, #tpu.memory_space<hbm>>) target(%dma_start3A_972 : memref<4x1x56x56xf32, #tpu.memory_space<vmem>>) target_semaphore(%arg10 : memref<!tpu.dma_semaphore, #tpu.memory_space<semaphore_mem>>)
      } else {
      }
    }
    %scan3A_265 = arith.constant 24 : i32
    return
  }
}

</mosaic_0001>

<sc_bundles>
// kernel: kernel.3.cloned.1.call-start
scs
__scs_entry_jumppad:
0x0: {  	(pc) =	sbr.rel $0x88, $3  }
0x1: {  	(tag) =	ssettag $0x0;
	lr =	simm.s32 $0x1  }
0x2: {  	[smem:$0x3F9F] =	sst lr;
	_ =	strace $0xD0000000  }
0x3: {  	_ = 	snop  }
0x4: {  	_ = 	snop  }
0x5: {  	_ = 	snop  }
0x6: {  	_ = 	snop  }
0x7: {  	_ = 	snop  }
__scs_overlays_trampoline_lowered:
0x8: {  	[smem:$0x3FAE] =	sst s0  }
0x9: {  	[smem:$0x3FAF] =	sst s1  }
0xa: {  	[smem:$0x3FB0] =	sst s2  }
0xb: {  	[smem:$0x3FB1] =	sst s3  }
0xc: {  	[smem:$0x3FB2] =	sst s4  }
0xd: {  	[smem:$0x3FB3] =	sst s5  }
0xe: {  	[smem:$0x3FB4] =	sst s6  }
0xf: {  	[smem:$0x3FB5] =	sst s7  }
0x10: {  	[smem:$0x3FB6] =	sst s8  }
0x11: {  	[smem:$0x3FB7] =	sst s9;
	s0 =	simm.s32 @!p0 $0x0  }
0x12: {  	s1 =	sld [smem:$0x3F9D];
	s0 =	simm.s32 @p0 $0x1  }
0x13: {  	[smem:$0x3FB8] =	sst s0;
	s0 =	simm.s32 @!p1 $0x0  }
0x14: {  	s2 =	sld [smem:$0x3F9C];
	s0 =	simm.s32 @p1 $0x1  }
0x15: {  	[smem:$0x3FB9] =	sst s0;
	s0 =	simm.s32 @!p2 $0x0  }
0x16: {  	s3 =	sld [smem:$0x3FDB];
	s0 =	simm.s32 @p2 $0x1  }
0x17: {  	s4 =	simm.s32 $0x1BF5;
	[smem:$0x3FBB] =	sst s0  }
0x18: {  	s0 =	sld [smem:$0x3F9E];
	_ =	swait.ge [sflag:s4], $0x0  }
0x19: {  	s7 =	sld [smem:$0x3F9F]  }
0x1a: {  	s8 =	sadd.s32 $0xFFFFE003, lr  }
0x1b: {  	s9 =	sadd.s32 $0xFFFFFEF7, lr;
	s5 =	simm.s32 $0xFFFFFFFF;
	p2 =	slt.u32 s8, $0xFFFFF086  }
0x1c: {  	p1 =	slt.u32 s9, $0xF7A;
	s5 =	simm.s32 @!p2 $0x0  }
0x1d: {  	s5 =	simm.s32 @p1 $0x1;
	p0 =	seq.s32 s7, s2  }
0x1e: {  	s7 =	smul.u32 @!p0 $0xF7A, s2;
	p2 =	seq.s32 @!p0 s5, $0x0  }
0x1f: {  	s9 =	smul.u32 $0xF7A, s1;
	s8 =	simm.s32 @!p0 $0x1BF5;
	p2 =	por !p2, p0  }
0x20: {  	[sflag:s8] =	ssyncset.s32 @!p0 $0xFFFFF086;
	s6 =	sadd.s32 @!p0 s3, s7;
	s7 =	simm.s32 @!p0 $0x108  }
0x21: {  	s3 =	sadd.s32 s3, s9;
	s6 =	sadd.s32 @!p0 $0x88, s6;
	s7 =	simm.s32 @p2 $0x1082  }
0x22: {  	[simem:s7], [sflag:s8] =	dma.local @!p0 [hbm:s6], $0xF7A  }
0x23: {  	s9 =	sor.u32 $0xD0000000, s2;
	s6 =	simm.s32 $0x108;
	_ =	swait.ge @!p0 [sflag:s8], $0x0  }
0x24: {  	s3 =	sadd.s32 $0x88, s3;
	s6 =	simm.s32 @!p1 $0x1082;
	[sflag:s4] =	ssyncset.s32 $0xFFFFF086  }
0x25: {  	[simem:s6], [sflag:s4] =	dma.local [hbm:s3], $0xF7A  }
0x26: {  	[smem:$0x3F9F] =	sst s1;
	(tag) =	ssettag s2;
	_ =	strace s9  }
0x27: {  	s1 =	sld [smem:$0x3FAF]  }
0x28: {  	s2 =	sld [smem:$0x3FB0]  }
0x29: {  	s4 =	sld [smem:$0x3FB2]  }
0x2a: {  	p0 =	seq.s32 s5, $0x0;
	s5 =	sld [smem:$0x3FB3]  }
0x2b: {  	s6 =	sld [smem:$0x3FB4]  }
0x2c: {  	s7 =	sld [smem:$0x3FB5]  }
0x2d: {  	s3 =	simm.s32 $0x108;
	s8 =	sld [smem:$0x3FB6]  }
0x2e: {  	s3 =	simm.s32 @!p0 $0x1082;
	s9 =	sld [smem:$0x3FB7]  }
0x2f: {  	lr =	sadd.s32 s0, s3;
	s0 =	sld [smem:$0x3FAE]  }
0x30: {  	s3 =	sld [smem:$0x3FB1]  }
0x31: {  	[smem:$0x3FBA] =	sst s10  }
0x32: {  	s10 =	sld [smem:$0x3FB8];
	_ =	sdelay $0x3  }
0x33: {  	p0 =	seq.s32 s10, $0x1;
	s10 =	sld [smem:$0x3FBA];
	_ =	sdelay $0x3  }
0x34: {  	[smem:$0x3FBA] =	sst s10  }
0x35: {  	s10 =	sld [smem:$0x3FB9];
	_ =	sdelay $0x3  }
0x36: {  	p1 =	seq.s32 s10, $0x1;
	s10 =	sld [smem:$0x3FBA];
	_ =	sdelay $0x3  }
0x37: {  	[smem:$0x3FBA] =	sst s10  }
0x38: {  	s10 =	sld [smem:$0x3FBB]  }
0x39: {  	_ = 	snop;
	(pc) =	sbr.ind lr, $3  }
0x3a: {  	_ = 	snop  }
0x3b: {  	_ = 	snop  }
0x3c: {  	p2 =	seq.s32 s10, $0x1;
	s10 =	sld [smem:$0x3FBA]  }
0x3d: {  	_ =	shalt  }
0x3e: {  	_ =	shalt  }
0x3f: {  	_ =	shalt  }
0x40: {  	_ =	shalt  }
0x41: {  	_ =	shalt  }
0x42: {  	_ =	shalt  }
0x43: {  	_ =	shalt  }
0x44: {  	_ =	shalt  }
0x45: {  	_ =	shalt  }
0x46: {  	_ =	shalt  }
0x47: {  	_ =	shalt  }
0x48: {  	_ =	shalt  }
0x49: {  	_ =	shalt  }
0x4a: {  	_ =	shalt  }
0x4b: {  	_ =	shalt  }
0x4c: {  	_ =	shalt  }
0x4d: {  	_ =	shalt  }
0x4e: {  	_ =	shalt  }
0x4f: {  	_ =	shalt  }
0x50: {  	_ =	shalt  }
0x51: {  	_ =	shalt  }
0x52: {  	_ =	shalt  }
0x53: {  	_ =	shalt  }
0x54: {  	_ =	shalt  }
0x55: {  	_ =	shalt  }
0x56: {  	_ =	shalt  }
0x57: {  	_ =	shalt  }
0x58: {  	_ =	shalt  }
0x59: {  	_ =	shalt  }
0x5a: {  	_ =	shalt  }
0x5b: {  	_ =	shalt  }
0x5c: {  	_ =	shalt  }
0x5d: {  	_ =	shalt  }
0x5e: {  	_ =	shalt  }
0x5f: {  	_ =	shalt  }
0x60: {  	_ =	shalt  }
0x61: {  	_ =	shalt  }
0x62: {  	_ =	shalt  }
0x63: {  	_ =	shalt  }
0x64: {  	_ =	shalt  }
0x65: {  	_ =	shalt  }
0x66: {  	_ =	shalt  }
0x67: {  	_ =	shalt  }
0x68: {  	_ =	shalt  }
0x69: {  	_ =	shalt  }
0x6a: {  	_ =	shalt  }
0x6b: {  	_ =	shalt  }
0x6c: {  	_ =	shalt  }
0x6d: {  	_ =	shalt  }
0x6e: {  	_ =	shalt  }
0x6f: {  	_ =	shalt  }
0x70: {  	_ =	shalt  }
0x71: {  	_ =	shalt  }
0x72: {  	_ =	shalt  }
0x73: {  	_ =	shalt  }
0x74: {  	_ =	shalt  }
0x75: {  	_ =	shalt  }
0x76: {  	_ =	shalt  }
0x77: {  	_ =	shalt  }
0x78: {  	_ =	shalt  }
0x79: {  	_ =	shalt  }
0x7a: {  	_ =	shalt  }
0x7b: {  	_ =	shalt  }
0x7c: {  	_ =	shalt  }
0x7d: {  	_ =	shalt  }
0x7e: {  	_ =	shalt  }
0x7f: {  	_ =	shalt  }
0x80: {  	_ =	shalt  }
0x81: {  	_ =	shalt  }
0x82: {  	_ =	shalt  }
0x83: {  	_ =	shalt  }
0x84: {  	_ =	shalt  }
0x85: {  	_ =	shalt  }
0x86: {  	_ =	shalt  }
0x87: {  	_ =	shalt  }
.Lfunc_end0:
.L_simem_size_0:
called_computation_lowered:
.L_overlay_start_0:
0x88: {  	s2 =	sld [smem:$0x3FD9]  }
0x89: {  	s3 =	sld [smem:$0x3FFE];
	_ =	sdelay $0x1  }
0x8a: {  	s1 =	srdreg.scid  }
0x8b: {  	s0 =	sand.u32 $0x1, s1  }
0x8c: {  	s17 =	sshll.u32 s0, $0xA;
	s2 =	sadd.s32 s3, s2  }
0x8d: {  	s2 =	sadd.s32 s2, s17  }
0x8e: {  	[smem:$0x3FC6] =	sst s2  }
0x8f: {  	_ = 	snop  }
0x90: {  	s2 =	sld [smem:$0x3FC8];
	(tm) =	ssettm $0x1  }
0x91: {  	s18 =	sld [smem:$0x3FFB];
	_ =	sdelay $0x3  }
0x92: {  	_ =	strace s18  }
0x93: {  	s3 =	sld [smem:$0x3FFC];
	_ =	sdelay $0x3  }
0x94: {  	_ =	strace s3  }
0x95: {  	s3 =	sld [smem:$0x3FFD];
	_ =	sdelay $0x3  }
0x96: {  	_ =	strace s3  }
0x97: {  	_ =	strace $0x8FFFFFFF  }
0x98: {  	s19 =	sld [smem:$0x3FDB];
	_ =	sdelay $0x1  }
0x99: {  	s4 =	simm.s32 $_scs_section_size  }
0x9a: {  	s5 =	simm.s32 $_size__tile_overlayer_lowered;
	s6 =	simm.s32 $_tile_overlayer_lowered  }
0x9b: {  	s22 =	simm.s32 $0x1BFF;
	s21 =	sshll.u32 s6, $0x1;
	s3 =	sadd.s32 s4, s19  }
0x9c: {  	s7 =	simm.s32 $0x0;
	s20 =	sshll.u32 s5, $0x1;
	s5 =	sadd.s32 s21, s3  }
0x9d: {  	[timem:s7], [sflag:s22] =	dma.local [hbm:s5], s20  }
0x9e: {  	_ =	swait.ge [sflag:s22], s20  }
0x9f: {  	s4 =	ssub.s32 $0x0, s20;
	[sflag:s22] =	ssyncset.done $0x0  }
0xa0: {  	[sflag:s22] =	ssyncadd.s32 s4;
	_ =	sdelay $0x1  }
0xa1: {  	s23 =	simm.s32 $0x1B8B  }
0xa2: {  	_ =	swait.ge [sflag:s23], $0x1  }
0xa3: {  	[sflag:s23] =	ssyncset.done $0x0  }
0xa4: {  	s25 =	simm.s32 $0x1B8E;
	s24 =	sld [smem:$0x3FFE];
	[sflag:s23] =	ssyncadd.s32 $0xFFFFFFFF  }
0xa5: {  	s26 =	simm.s32 $execute0_lowered;
	[smem:$0x3FD2] =	sst s25  }
0xa6: {  	s5 =	sshll.u32 s26, $0x1;
	_ =	strace $0x80000046;
	[dreg:$0x1] =	wrdreg $0xFFFFFFFF  }
0xa7: {  	s28 =	simm.s32 $_size_execute0_lowered;
	s3 =	sadd.s32 s3, s5;
	[dreg:$0x0] =	wrdreg $0x0  }
0xa8: {  	s5 =	sshll.u32 s28, $0x1;
	[dreg:$0x2] =	wrdreg s3  }
0xa9: {  	[dreg:$0x3] =	wrdreg s5  }
0xaa: {  	[dreg:$0x4] =	wrdreg $0xC0  }
0xab: {  	_ =	task [dreg:s7], $0x5FFFF  }
0xac: {  	[dreg:$0x1] =	wrdreg $0xFFFFFFFF  }
0xad: {  	[dreg:$0x0] =	wrdreg $0x60  }
0xae: {  	[dreg:$0x2] =	wrdreg s24  }
0xaf: {  	[dreg:$0x3] =	wrdreg s2  }
0xb0: {  	[dreg:$0x4] =	wrdreg $0x9  }
0xb1: {  	_ =	task.clear_ibuf [dreg:s7], $0x5FFFF;
	_ =	strace $0x90000046  }
0xb2: {  	s29 =	simm.s32 $0x9;
	_ =	strace $0x80000048  }
0xb3: {  	_ =	swait.ge [sflag:s29], $0x1  }
0xb4: {  	[sflag:s29] =	ssyncadd.s32 $0xFFFFFFFF  }
0xb5: {  	_ =	strace $0x90000048  }
0xb6: {  	_ =	sfence  }
0xb7: {  	s30 =	sld [smem:$0x0];
	_ =	sdelay $0x2  }
0xb8: {  	s31 =	sshll.u32 s1, $0xD;
	s1 =	sshrl.u32 s1, $0x2  }
0xb9: {  	s3 =	sand.u32 $0x4000, s31;
	s1 =	sadd.s32 s1, s30  }
0xba: {  	s0 =	sor.u32 s3, s0;
	s1 =	sshll.u32 s1, $0x11  }
0xbb: {  	s0 =	sor.u32 s1, s0  }
0xbc: {  	s0 =	sadd.s32 $0x8F2B, s0  }
0xbd: {  	[sflag:s0] =	ssyncadd.remote.s32 $0x1  }
0xbe: {  	_ =	sfence.sel $0xFFFF  }
0xbf: {  	[dreg:$0x0] =	wrdreg $0xFFFFFFFF;
	(pc) =	sbr.abs _section_cstart, $3  }
0xc0: {  	[dreg:$0x1] =	wrdreg $0xFFFFFFFF  }
0xc1: {  	_ =	task.clear_ibuf [dreg:s7], $0x2FFFF;
	_ =	strace $0x9FFFFFFF  }
0xc2: {  	(tm) =	ssettm $0x7FFFFFFF  }
0xc3: {  	_ =	shalt  }
tec
execute0_lowered:
.L_overlay_start_1:
0x0: {  	(tag) =	ssettag $0x1  }
0x1: {  	s1 =	srdreg.scid  }
0x2: {  	s0 =	stileid.u32;
	s5 =	rddreg [dreg:$0x0];
	s13 =	simm.s32 $0x100  }
0x3: {  	s15 =	simm.s32 $0x7100;
	s16 =	simm.s32 $0xE100;
	s17 =	simm.s32 $0x15100  }
0x4: {  	s18 =	simm.s32 $0x1;
	s19 =	simm.s32 $0x2;
	s20 =	simm.s32 $0x3  }
0x5: {  	s21 =	simm.s32 $0x4;
	s22 =	simm.s32 $0x5;
	s23 =	simm.s32 $0x6  }
0x6: {  	s24 =	simm.s32 $0x7;
	s25 =	simm.s32 $0x8;
	s8 =	smul.u32 $0x300, s0  }
0x7: {  	s26 =	simm.s32 $0x0;
	s1 =	sand.u32 $0x1, s1;
	s11 =	smul.u32 $0xC0, s0  }
0x8: {  	s3 =	sshll.u32 s0, $0x1;
	s4 =	sadd.s32 $0x400, s5;
	s9 =	smul.u32 $0x180, s1  }
0x9: {  	s6 =	sor.u32 s1, s3;
	s10 =	ssub.s32 $0x2, s1;
	s1 =	smul.u32 $0x60, s1  }
0xa: {  	s5 =	sadd.s32 $0xA80400, s5;
	s3 =	simm.s32 $0x0;
	s7 =	smul.u32 $0x60, s6  }
.Ltmp0:
0xb: {  	[smem:$0x7FF] =	sst s3;
	s12 =	sshrl.u32 s10, $0x1;
	(pc) =	sbr.rel .LBB2_1-.Ltmp0, $4  }
0xc: {  	s14 =	smul.u32 $0x18, s6;
	_ =	strace $0x80000047;
	s10 =	ssub.s32 s10, s12  }
0xd: {  	s12 =	simm.s32 $0x150000;
	s31 =	sshrl.u32 s7, $0x2;
	s6 =	smax.u32 s10, $0x1  }
0xe: {  	s7 =	sadd.s32 s9, s8;
	s8 =	sadd.s32 s1, s11;
	s9 =	simm.s32 $0x9  }
0xf: {  	s11 =	simm.s32 $0x1C00;
	s14 =	sshrl.u32 s14, $0x2;
	s10 =	sshrl.u32 s31, $0x2  }
.LBB2_4:
0x10: {  	_ =	swait.ge [sflag:s23], $0x7000  }
0x11: {  	[sflag:s23] =	ssyncset.done $0x0  }
0x12: {  	s26 =	sadd.s32 $0x1, s26;
	[sflag:s23] =	ssyncadd.s32 $0xFFFF9000  }
0x13: {  	p0 =	sne.s32 s26, s6;
	_ =	swait.ge [sflag:s24], $0x7000  }
.Ltmp1:
0x14: {  	[sflag:s24] =	ssyncset.done $0x0;
	(pc) =	sbr.rel @!p0 .LBB2_5-.Ltmp1, $4  }
0x15: {  	[sflag:s24] =	ssyncadd.s32 $0xFFFF9000  }
0x16: {  	_ =	swait.ge [sflag:s25], $0x7000  }
0x17: {  	[sflag:s25] =	ssyncset.done $0x0  }
0x18: {  	[sflag:s25] =	ssyncadd.s32 $0xFFFF9000  }
.LBB2_1:
0x19: {  	s0 =	rddreg [dreg:$0x1]  }
0x1a: {  	[tilespmem:s3], [sflag:$0x9] =	stream.linear.gather [hbm4b:s0+s3], $0xC0, $0x38;
	[tilespmem:$0x1C100] =	vst v63  }
0x1b: {  	_ =	swait.ge [sflag:s9], $0xC0  }
0x1c: {  	[sflag:s9] =	ssyncset.done $0x0  }
0x1d: {  	[sflag:s9] =	ssyncadd.s32 $0xFFFFFF40  }
0x1e: {  	v0 =	vld [tilespmem:s10+$0x0];
	_ =	sdelay $0x4  }
0x1f: {  	(v2sf) =	vpush v0, $0x0;
	_ =	sdelay $0xe  }
0x20: {  	s1 =	spop (v2sf)  }
0x21: {  	s1 =	smul.u32 $0x1C00, s1;
	_ =	sdelay $0x1  }
0x22: {  	s1 =	sshrl.u32 s1, $0x3  }
0x23: {  	s1 =	sadd.s32 s4, s1  }
0x24: {  	[tilespmem:s13], [sflag:$0x1] =	stream.strided.gather [hbm4b:s1+s11], $0x7000, s12, s11, $0x38;
	[tilespmem:$0x1C100] =	vst v63  }
0x25: {  	v61 =	vld [tilespmem:s14+$0x0];
	_ =	sdelay $0x4  }
0x26: {  	(v2sf) =	vpush v61, $0x0;
	_ =	sdelay $0xe  }
0x27: {  	s0 =	spop (v2sf)  }
0x28: {  	s1 =	smul.u32 $0x1C00, s0;
	_ =	sdelay $0x1  }
0x29: {  	s1 =	sadd.s32 $0x540000, s1  }
0x2a: {  	s1 =	sshrl.u32 s1, $0x3  }
0x2b: {  	s1 =	sadd.s32 s4, s1  }
0x2c: {  	[tilespmem:s15], [sflag:$0x2] =	stream.strided.gather [hbm4b:s1+s11], $0x7000, s12, s11, $0x38;
	[tilespmem:$0x1C100] =	vst v63  }
0x2d: {  	v62 =	vld [tilespmem:s14+$0x0];
	_ =	sdelay $0x4  }
0x2e: {  	(v2sf) =	vpush v62, $0x0;
	_ =	sdelay $0xe  }
0x2f: {  	s2 =	spop (v2sf)  }
0x30: {  	s1 =	smul.u32 $0x1C00, s2;
	_ =	sdelay $0x1  }
0x31: {  	s1 =	sadd.s32 $0xA80000, s1  }
0x32: {  	s1 =	sshrl.u32 s1, $0x3  }
0x33: {  	s1 =	sadd.s32 s4, s1  }
0x34: {  	[tilespmem:s16], [sflag:$0x3] =	stream.strided.gather [hbm4b:s1+s11], $0x7000, s12, s11, $0x38;
	[tilespmem:$0x1C100] =	vst v63  }
0x35: {  	v63 =	vld [tilespmem:s14+$0x0];
	_ =	sdelay $0x4  }
0x36: {  	(v2sf) =	vpush v63, $0x0;
	_ =	sdelay $0xe  }
0x37: {  	s31 =	spop (v2sf)  }
0x38: {  	s1 =	smul.u32 $0x1C00, s31;
	_ =	sdelay $0x1  }
0x39: {  	s1 =	sadd.s32 $0xFC0000, s1  }
0x3a: {  	s30 =	smov.u32 s8;
	s1 =	sshrl.u32 s1, $0x3  }
0x3b: {  	s28 =	simm.s32 $0x0;
	s29 =	simm.s32 $0x0;
	s1 =	sadd.s32 s4, s1  }
0x3c: {  	[tilespmem:s17], [sflag:$0x4] =	stream.strided.gather [hbm4b:s1+s11], $0x7000, s12, s11, $0x38;
	[tilespmem:$0x1C100] =	vst v63  }
.LBB2_2:
0x3d: {  	s31 =	sadd.s32 s28, s7;
	s1 =	sand.u32 $0x3, s29  }
0x3e: {  	p0 =	seq.s32 s31, $0x0;
	p1 =	sne.s32 s1, $0x0  }
0x3f: {  	p0 =	por !p1, !p0  }
0x40: {  	s1 =	simm.s32 $0x1;
	p0 =	por !p0, !p0  }
0x41: {  	s0 =	sand.u32 $0x30, s28;
	s2 =	sshrl.u32 s30, $0x4;
	s1 =	simm.s32 @!p0 $0x0  }
0x42: {  	s0 =	smul.u32 $0x150000, s0;
	s1 =	ssub.s32 s2, s1  }
0x43: {  	s1 =	smul.u32 $0x1C00, s1  }
0x44: {  	_ =	swait.ge [sflag:s18], $0x7000  }
0x45: {  	[sflag:s18] =	ssyncset.done $0x0;
	s0 =	sadd.s32 s0, s1  }
0x46: {  	s2 =	smul.u32 $0x1C00, s2;
	s1 =	sand.u32 $0x30, s31;
	s0 =	sshrl.u32 s0, $0x3  }
0x47: {  	[sflag:s18] =	ssyncadd.s32 $0xFFFF9000;
	s1 =	smul.u32 $0x150000, s1;
	s0 =	sadd.s32 s5, s0  }
0x48: {  	[hbm4b:s0+s11] =	stream.strided.scatter [tilespmem:s13], [sflag:$0x5], $0x7000, s12, s11, $0x38;
	[tilespmem:$0x1C100] =	vst v63  }
0x49: {  	s1 =	sadd.s32 s2, s1  }
0x4a: {  	_ =	swait.ge [sflag:s19], $0x7000;
	s0 =	sshrl.u32 s1, $0x3  }
0x4b: {  	[sflag:s19] =	ssyncset.done $0x0;
	s0 =	sadd.s32 s5, s0  }
0x4c: {  	[sflag:s19] =	ssyncadd.s32 $0xFFFF9000;
	s2 =	sadd.s32 $0xA8000, s0  }
0x4d: {  	[hbm4b:s2+s11] =	stream.strided.scatter [tilespmem:s15], [sflag:$0x6], $0x7000, s12, s11, $0x38;
	[tilespmem:$0x1C100] =	vst v63  }
0x4e: {  	_ =	swait.ge [sflag:s20], $0x7000  }
0x4f: {  	[sflag:s20] =	ssyncset.done $0x0  }
0x50: {  	s2 =	sadd.s32 $0x150000, s0;
	[sflag:s20] =	ssyncadd.s32 $0xFFFF9000  }
0x51: {  	[hbm4b:s2+s11] =	stream.strided.scatter [tilespmem:s16], [sflag:$0x7], $0x7000, s12, s11, $0x38;
	[tilespmem:$0x1C100] =	vst v63  }
0x52: {  	_ =	swait.ge [sflag:s21], $0x7000  }
0x53: {  	p0 =	seq.s32 s28, $0x170;
	[sflag:s21] =	ssyncset.done $0x0  }
.Ltmp2:
0x54: {  	s0 =	sadd.s32 $0x1F8000, s0;
	[sflag:s21] =	ssyncadd.s32 $0xFFFF9000;
	(pc) =	sbr.rel @p0 .LBB2_4-.Ltmp2, $4  }
0x55: {  	[hbm4b:s0+s11] =	stream.strided.scatter [tilespmem:s17], [sflag:$0x8], $0x7000, s12, s11, $0x38;
	[tilespmem:$0x1C100] =	vst v63  }
0x56: {  	_ =	swait.ge [sflag:s22], $0x7000  }
0x57: {  	[sflag:s22] =	ssyncset.done $0x0  }
0x58: {  	[sflag:s22] =	ssyncadd.s32 $0xFFFF9000  }
0x59: {  	s1 =	sadd.s32 $0x4, s30  }
0x5a: {  	s0 =	sshrl.u32 s1, $0x4  }
0x5b: {  	v0 =	vld [tilespmem:s0+$0x0];
	_ =	sdelay $0x4  }
0x5c: {  	(v2sf) =	vpush v0, $0x0;
	_ =	sdelay $0xc  }
0x5d: {  	s2 =	sadd.s32 $0x10, s31  }
0x5e: {  	s0 =	sand.u32 $0x30, s2  }
0x5f: {  	s0 =	smul.u32 $0x150000, s0;
	s2 =	spop (v2sf)  }
0x60: {  	s2 =	smul.u32 $0x1C00, s2;
	_ =	sdelay $0x1  }
0x61: {  	s0 =	sadd.s32 s0, s2  }
0x62: {  	s0 =	sshrl.u32 s0, $0x3  }
0x63: {  	s0 =	sadd.s32 s4, s0  }
0x64: {  	[tilespmem:s13], [sflag:$0x1] =	stream.strided.gather [hbm4b:s0+s11], $0x7000, s12, s11, $0x38;
	[tilespmem:$0x1C100] =	vst v63  }
0x65: {  	_ =	swait.ge [sflag:s23], $0x7000  }
0x66: {  	s2 =	sadd.s32 $0x5, s30;
	[sflag:s23] =	ssyncset.done $0x0  }
0x67: {  	s0 =	sshrl.u32 s2, $0x4;
	[sflag:s23] =	ssyncadd.s32 $0xFFFF9000  }
0x68: {  	v61 =	vld [tilespmem:s0+$0x0];
	_ =	sdelay $0x4  }
0x69: {  	(v2sf) =	vpush v61, $0x0;
	_ =	sdelay $0xc  }
0x6a: {  	s2 =	sadd.s32 $0x14, s31  }
0x6b: {  	s0 =	sand.u32 $0x34, s2  }
0x6c: {  	s0 =	smul.u32 $0x150000, s0;
	s2 =	spop (v2sf)  }
0x6d: {  	s2 =	smul.u32 $0x1C00, s2;
	_ =	sdelay $0x1  }
0x6e: {  	s0 =	sadd.s32 s0, s2  }
0x6f: {  	s0 =	sshrl.u32 s0, $0x3  }
0x70: {  	s0 =	sadd.s32 s4, s0  }
0x71: {  	[tilespmem:s15], [sflag:$0x2] =	stream.strided.gather [hbm4b:s0+s11], $0x7000, s12, s11, $0x38;
	[tilespmem:$0x1C100] =	vst v63  }
0x72: {  	_ =	swait.ge [sflag:s24], $0x7000  }
0x73: {  	s2 =	sadd.s32 $0x6, s30;
	[sflag:s24] =	ssyncset.done $0x0  }
0x74: {  	s0 =	sshrl.u32 s2, $0x4;
	[sflag:s24] =	ssyncadd.s32 $0xFFFF9000  }
0x75: {  	v62 =	vld [tilespmem:s0+$0x0];
	_ =	sdelay $0x4  }
0x76: {  	(v2sf) =	vpush v62, $0x0;
	_ =	sdelay $0xc  }
0x77: {  	s2 =	sadd.s32 $0x18, s31  }
0x78: {  	s0 =	sand.u32 $0x38, s2  }
0x79: {  	s0 =	smul.u32 $0x150000, s0;
	s2 =	spop (v2sf)  }
0x7a: {  	s2 =	smul.u32 $0x1C00, s2;
	_ =	sdelay $0x1  }
0x7b: {  	s0 =	sadd.s32 s0, s2  }
0x7c: {  	s0 =	sshrl.u32 s0, $0x3  }
0x7d: {  	s0 =	sadd.s32 s4, s0  }
0x7e: {  	[tilespmem:s16], [sflag:$0x3] =	stream.strided.gather [hbm4b:s0+s11], $0x7000, s12, s11, $0x38;
	[tilespmem:$0x1C100] =	vst v63  }
0x7f: {  	_ =	swait.ge [sflag:s25], $0x7000  }
0x80: {  	s2 =	sadd.s32 $0x7, s30;
	[sflag:s25] =	ssyncset.done $0x0  }
0x81: {  	s0 =	sshrl.u32 s2, $0x4;
	[sflag:s25] =	ssyncadd.s32 $0xFFFF9000  }
0x82: {  	v63 =	vld [tilespmem:s0+$0x0];
	_ =	sdelay $0x4  }
0x83: {  	(v2sf) =	vpush v63, $0x0;
	_ =	sdelay $0xc  }
0x84: {  	s2 =	sadd.s32 $0x1C, s31  }
0x85: {  	s0 =	sand.u32 $0x3C, s2  }
0x86: {  	s0 =	smul.u32 $0x150000, s0;
	s31 =	spop (v2sf)  }
0x87: {  	s2 =	smul.u32 $0x1C00, s31  }
.Ltmp3:
0x88: {  	_ = 	snop;
	(pc) =	sbr.rel .LBB2_2-.Ltmp3, $4  }
0x89: {  	s0 =	sadd.s32 s0, s2  }
0x8a: {  	s29 =	sadd.s32 $0x1, s29;
	s0 =	sshrl.u32 s0, $0x3  }
0x8b: {  	s28 =	sadd.s32 $0x10, s28;
	s30 =	smov.u32 s1;
	s0 =	sadd.s32 s4, s0  }
0x8c: {  	[tilespmem:s17], [sflag:$0x4] =	stream.strided.gather [hbm4b:s0+s11], $0x7000, s12, s11, $0x38;
	[tilespmem:$0x1C100] =	vst v63  }
.LBB2_5:
0x8d: {  	_ =	sfence.sel $0x180000  }
0x8e: {  	[bflag:$0x0] =	sbarrier.arrive $0xFFFF  }
0x8f: {  	_ =	strace $0x90000047  }
0x90: {  	s0 =	stileid.u32;
	[bflag:$0x2] =	sbarrier.arrive $0xFFFF  }
0x91: {  	p0 =	sne.s32 s0, $0x0;
	s0 =	rddreg [dreg:$0x2]  }
0x92: {  	s0 =	sadd.s32 @!p0 $0x100000, s0  }
0x93: {  	[sflag:s0] =	ssyncadd.tile.s32 @!p0 $0x1;
	_ =	shalt  }
.Lfunc_end2:
_tile_overlayer_lowered:
.L_overlay_start_2:
0x94: {  	(tag) =	ssettag $0x2  }
0x95: {  	s0 =	rddreg [dreg:$0x0];
	s2 =	stileid.u32  }
0x96: {  	s1 =	rddreg [dreg:$0x1];
	p0 =	sne.s32 s2, $0x0  }
0x97: {  	s3 =	rddreg [dreg:$0x2];
	[bflag:$0x3] =	sbarrier.arrive $0xFFFF;
	s2 =	simm.s32 @!p0 $0x1C09  }
0x98: {  	[timem:s3], [sflag:s2] =	dma.local @!p0 [hbm:s0], s1  }
0x99: {  	s0 =	simm.s32 @!p0 $0x9  }
0x9a: {  	_ =	swait.ge @!p0 [sflag:s0], s1  }
0x9b: {  	s1 =	ssub.s32 @!p0 $0x0, s1;
	[sflag:s0] =	ssyncset.done @!p0 $0x0  }
0x9c: {  	[sflag:s0] =	ssyncadd.s32 @!p0 s1  }
0x9d: {  	[bflag:$0x3] =	sbarrier.arrive $0xFFFF  }
0x9e: {  	_ =	shalt  }

</sc_bundles>
